<compile_context>
chip_gen: v7x
topology: tpu7x:2x2x1
jax: 0.10.2.dev20260603
libtpu: 0.0.44.dev20260713+nightly
codegen_flags: <defaults>
</compile_context>

<pallas_src>
import functools

import jax
import jax.numpy as jnp
from jax import lax
from jax.experimental import pallas as pl
from jax.experimental.pallas import tpu as pltpu
from jax.experimental.pallas import tpu_sc as plsc

_NC = 2
_NS = 16
_NW = _NC * _NS
_CH = 128
_L16 = 16

_params = pltpu.CompilerParams(use_tc_tiling_on_sc=True, needs_layout_passes=False)
_mesh = plsc.VectorSubcoreMesh(core_axis_name="c", subcore_axis_name="s")


def _diags():
    iota = jax.lax.iota(jnp.int32, _L16)
    return [jnp.bitwise_and(iota + k, _L16 - 1) for k in range(_L16)]


@functools.partial(jax.jit, static_argnames=("vocab", "emb"))
def _sc_repack(table_t, *, vocab, emb):
    lanes = 2 * emb
    ntc = (vocab + lanes - 1) // lanes
    vpad = lanes * ntc

    @functools.partial(
        pl.kernel,
        out_type=jax.ShapeDtypeStruct((vpad // 2, lanes), jnp.float32),
        mesh=_mesh,
        scratch_types=[
            *[pltpu.VMEM((emb, lanes), jnp.float32) for _ in range(2)],
            *[pltpu.VMEM((emb, lanes), jnp.float32) for _ in range(2)],
            *[pltpu.SemaphoreType.DMA for _ in range(4)],
        ],
        compiler_params=_params,
    )
    def body(tab_hbm, out_hbm, in0, in1, ob0, ob1, li0, li1, so0, so1):
        ins, obs = (in0, in1), (ob0, ob1)
        lsems, ssems = (li0, li1), (so0, so1)
        wid = lax.axis_index("s") * _NC + lax.axis_index("c")
        n_i = (ntc - wid + _NW - 1) // _NW
        diags = _diags()
        iota = jax.lax.iota(jnp.int32, _L16)
        qpat = jnp.bitwise_and(iota, 7)
        hipat = jax.lax.shift_right_logical(iota, 3)
        vpat = 2 * qpat + hipat
        hi64 = hipat * emb

        def load_desc(i, b):
            tc = (wid + i * _NW) * lanes
            return pltpu.make_async_copy(
                tab_hbm.at[:, pl.ds(tc, lanes)], ins[b], lsems[b]
            )

        def store_desc(i, b):
            r0 = (wid + i * _NW) * emb
            return pltpu.make_async_copy(
                obs[b], out_hbm.at[pl.ds(r0, emb)], ssems[b]
            )

        @pl.when(n_i > 0)
        def _():
            load_desc(0, 0).start()

        @pl.loop(0, n_i)
        def _(i):
            for b in range(2):

                @pl.when((i & 1) == b)
                def _():
                    @pl.when(i + 1 < n_i)
                    def _():
                        load_desc(i + 1, 1 - b).start()

                    load_desc(i, b).wait()

                    @pl.when(i >= 2)
                    def _():
                        store_desc(0, b).wait()

                    @pl.loop(0, emb // 8)
                    def _(qg):
                        v_idx = vpat + _L16 * qg
                        q_idx = qpat + 8 * qg

                        @pl.loop(0, emb // _L16)
                        def _(eg):
                            for k in range(_L16):
                                e_idx = diags[k] + _L16 * eg
                                vals = plsc.load_gather(ins[b], [e_idx, v_idx])
                                plsc.store_scatter(
                                    obs[b], [q_idx, hi64 + e_idx], vals
                                )

                    store_desc(i, b).start()

        @pl.when(n_i >= 1)
        def _():
            store_desc(0, 0).wait()

        @pl.when(n_i >= 2)
        def _():
            store_desc(0, 1).wait()

    return body(table_t)


@functools.partial(jax.jit, static_argnames=("seq_len", "emb"))
def _sc_embed(seq_t, table2, *, seq_len, emb):
    groups = _CH // _L16

    @functools.partial(
        pl.kernel,
        out_type=jax.ShapeDtypeStruct((seq_len, emb, _NW * _CH), jnp.float32),
        mesh=_mesh,
        scratch_types=[
            pltpu.VMEM((seq_len, _CH), jnp.int32),
            pltpu.VMEM((4, _CH), jnp.int32),
            *[pltpu.VMEM((_CH, 2 * emb), jnp.float32) for _ in range(4)],
            *[pltpu.VMEM((emb, _CH), jnp.float32) for _ in range(2)],
            *[pltpu.SemaphoreType.DMA for _ in range(6)],
        ],
        compiler_params=_params,
    )
    def body(seq_hbm, table_hbm, out_hbm, idx_v, half_v, *bufs_and_sems):
        rows = bufs_and_sems[:4]
        slabs = bufs_and_sems[4:6]
        gsems = bufs_and_sems[6:10]
        ssems = bufs_and_sems[10:12]
        wid = lax.axis_index("s") * _NC + lax.axis_index("c")
        col0 = wid * _CH
        diags = _diags()
        iota = jax.lax.iota(jnp.int32, _L16)

        def fire_gather(l, rb):
            for t in range(groups):
                sl = pl.ds(t * _L16, _L16)
                half_v[rb, sl] = jax.lax.shift_right_logical(idx_v[l, sl], 1)
            pltpu.make_async_copy(
                table_hbm.at[half_v.at[rb]], rows[rb], gsems[rb]
            ).start()

        def wait_gather(rb):
            pltpu.make_async_copy(
                table_hbm.at[half_v.at[rb]], rows[rb], gsems[rb]
            ).wait()

        def store_desc(l, sb):
            return pltpu.make_async_copy(
                slabs[sb], out_hbm.at[l, :, pl.ds(col0, _CH)], ssems[sb]
            )

        pltpu.sync_copy(seq_hbm.at[:, pl.ds(col0, _CH)], idx_v)
        fire_gather(0, 0)
        fire_gather(1, 1)

        @pl.loop(0, seq_len, step=4)
        def _(l0):
            for k in range(4):
                l = l0 + k
                sb = k % 2

                @pl.when(l + 2 < seq_len)
                def _():
                    fire_gather(l + 2, (k + 2) % 4)

                wait_gather(k)

                @pl.when(l >= 2)
                def _():
                    store_desc(0, sb).wait()

                @pl.loop(0, groups)
                def _(tg):
                    tok = pl.ds(tg * _L16, _L16)
                    par = jax.lax.shift_left(
                        jnp.bitwise_and(idx_v[l, tok], 1), 6
                    )
                    row_ids = iota + tg * _L16

                    @pl.loop(0, emb // _L16)
                    def _(eg):
                        for j in range(_L16):
                            e_idx = diags[j] + eg * _L16
                            vals = plsc.load_gather(
                                rows[k], [row_ids, par + e_idx]
                            )
                            plsc.store_scatter(
                                slabs[sb], [e_idx, row_ids], vals
                            )

                store_desc(l, sb).start()

        store_desc(0, 0).wait()
        store_desc(0, 1).wait()

    return body(seq_t, table2)


def kernel(sequences, embedding_weight):
    b, l = sequences.shape
    v, emb = embedding_weight.shape
    seq_t = sequences.T.astype(jnp.int32)
    table_t = embedding_weight.T
    table2 = _sc_repack(table_t, vocab=v, emb=emb)
    out_t = _sc_embed(seq_t, table2, seq_len=l, emb=emb)
    return out_t.transpose(2, 0, 1)

# --- scband reference (transcript-rebuilt; emitter-appended) ---
"""Pipeline reference for scband-embedding-layer-52802327937273 (READ-ONLY COPY).

The authoritative reference and input builder live on the scoring server;
editing this copy changes nothing except your own understanding.
"""

import jax, jax.numpy as jnp
import numpy as np

VOCAB = 1000000
EMBED = 64
B = 4096
L = 200

def setup_inputs(seed: int = 0) -> dict:
    key = jax.random.key(seed)
    k_idx, k_w = jax.random.split(key)
    sequences = jax.random.randint(k_idx, (B, L), 0, VOCAB, dtype=jnp.int64 if jax.config.jax_enable_x64 else jnp.int32)
    embedding_weight = jax.random.normal(k_w, (VOCAB, EMBED), dtype=jnp.float32)
    return {"sequences": sequences, "embedding_weight": embedding_weight}

def reference(sequences, embedding_weight):
    # learn_new_embeddings=True, include_pretrained=False, include_fasttext=False
    # dropout p=0.0 -> identity in eval/train; forward is a pure embedding lookup.
    embedded = jnp.take(embedding_weight, sequences, axis=0)
    return embedded

if __name__ == "__main__":
    import jax
    _d = setup_inputs()
    print(jax.jit(kernel)(*tuple(_d.values())))

</pallas_src>

<mosaic_0001>
#map = affine_map<(d0, d1) -> (0, 0)>
module attributes {stable_mosaic.version = 14 : i64} {
  func.func @body(%arg0: i32, %arg1: i32, %arg2: memref<64x1000000xf32, #tpu.memory_space<hbm>>, %arg3: memref<500032x128xf32, #tpu.memory_space<hbm>>, %arg4: memref<64x128xf32, #tpu.memory_space<vmem>>, %arg5: memref<64x128xf32, #tpu.memory_space<vmem>>, %arg6: memref<64x128xf32, #tpu.memory_space<vmem>>, %arg7: memref<64x128xf32, #tpu.memory_space<vmem>>, %arg8: memref<!tpu.dma_semaphore, #tpu.memory_space<semaphore_mem>>, %arg9: memref<!tpu.dma_semaphore, #tpu.memory_space<semaphore_mem>>, %arg10: memref<!tpu.dma_semaphore, #tpu.memory_space<semaphore_mem>>, %arg11: memref<!tpu.dma_semaphore, #tpu.memory_space<semaphore_mem>>) attributes {dimension_semantics = [#tpu.dimension_semantics<core_parallel>, #tpu.dimension_semantics<subcore_parallel>], iteration_bounds = array<i64: 2, 16>, scalar_prefetch = 0 : i64, scratch_operands = 8 : i64, tpu.core_type = #tpu.core_type<sc_vector_subcore>, window_params = [{transform_indices = #map}, {transform_indices = #map}]} {
    %mul3A = arith.constant 2 : i32
    %mul3A_0 = arith.muli %arg1, %mul3A : i32
    %add3A = arith.addi %mul3A_0, %arg0 : i32
    %sub3A = arith.constant 7813 : i32
    %sub3A_1 = arith.subi %sub3A, %add3A : i32
    %add3A_2 = arith.constant 32 : i32
    %add3A_3 = arith.addi %sub3A_1, %add3A_2 : i32
    %sub3A_4 = arith.constant 1 : i32
    %sub3A_5 = arith.subi %add3A_3, %sub3A_4 : i32
    %jit3A = arith.constant 32 : i32
    %div3A = arith.divsi %sub3A_5, %jit3A : i32
    %sign3A = arith.constant 0 : i32
    %sign3A_6 = arith.cmpi sgt, %sub3A_5, %sign3A : i32
    %sign3A_7 = arith.extui %sign3A_6 : i1 to i32
    %sign3A_8 = arith.constant 0 : i32
    %sign3A_9 = arith.cmpi slt, %sub3A_5, %sign3A_8 : i32
    %sign3A_10 = arith.extui %sign3A_9 : i1 to i32
    %sign3A_11 = arith.subi %sign3A_7, %sign3A_10 : i32
    %sign3A_12 = arith.constant 0 : i32
    %sign3A_13 = arith.cmpi sgt, %jit3A, %sign3A_12 : i32
    %sign3A_14 = arith.extui %sign3A_13 : i1 to i32
    %sign3A_15 = arith.constant 0 : i32
    %sign3A_16 = arith.cmpi slt, %jit3A, %sign3A_15 : i32
    %sign3A_17 = arith.extui %sign3A_16 : i1 to i32
    %sign3A_18 = arith.subi %sign3A_14, %sign3A_17 : i32
    %ne3A = arith.cmpi ne, %sign3A_11, %sign3A_18 : i32
    %rem3A = arith.remsi %sub3A_5, %jit3A : i32
    %ne3A_19 = arith.constant 0 : i32
    %ne3A_20 = arith.cmpi ne, %rem3A, %ne3A_19 : i32
    %and3A = arith.andi %ne3A, %ne3A_20 : i1
    %sub3A_21 = arith.constant 1 : i32
    %sub3A_22 = arith.subi %div3A, %sub3A_21 : i32
    %select_n3A = arith.select %and3A, %sub3A_22, %div3A : i32
    %iota3A = tpu.iota {dimensions = array<i32: 0>} : vector<16xi32>
    %add3A_23 = arith.constant 0 : i32
    %add3A_24 = vector.broadcast %add3A_23 : i32 to vector<16xi32>
    %add3A_25 = arith.addi %iota3A, %add3A_24 : vector<16xi32>
    %and3A_26 = arith.constant 15 : i32
    %and3A_27 = vector.broadcast %and3A_26 : i32 to vector<16xi32>
    %and3A_28 = arith.andi %add3A_25, %and3A_27 : vector<16xi32>
    %add3A_29 = arith.constant 1 : i32
    %add3A_30 = vector.broadcast %add3A_29 : i32 to vector<16xi32>
    %add3A_31 = arith.addi %iota3A, %add3A_30 : vector<16xi32>
    %and3A_32 = arith.constant 15 : i32
    %and3A_33 = vector.broadcast %and3A_32 : i32 to vector<16xi32>
    %and3A_34 = arith.andi %add3A_31, %and3A_33 : vector<16xi32>
    %add3A_35 = arith.constant 2 : i32
    %add3A_36 = vector.broadcast %add3A_35 : i32 to vector<16xi32>
    %add3A_37 = arith.addi %iota3A, %add3A_36 : vector<16xi32>
    %and3A_38 = arith.constant 15 : i32
    %and3A_39 = vector.broadcast %and3A_38 : i32 to vector<16xi32>
    %and3A_40 = arith.andi %add3A_37, %and3A_39 : vector<16xi32>
    %add3A_41 = arith.constant 3 : i32
    %add3A_42 = vector.broadcast %add3A_41 : i32 to vector<16xi32>
    %add3A_43 = arith.addi %iota3A, %add3A_42 : vector<16xi32>
    %and3A_44 = arith.constant 15 : i32
    %and3A_45 = vector.broadcast %and3A_44 : i32 to vector<16xi32>
    %and3A_46 = arith.andi %add3A_43, %and3A_45 : vector<16xi32>
    %add3A_47 = arith.constant 4 : i32
    %add3A_48 = vector.broadcast %add3A_47 : i32 to vector<16xi32>
    %add3A_49 = arith.addi %iota3A, %add3A_48 : vector<16xi32>
    %and3A_50 = arith.constant 15 : i32
    %and3A_51 = vector.broadcast %and3A_50 : i32 to vector<16xi32>
    %and3A_52 = arith.andi %add3A_49, %and3A_51 : vector<16xi32>
    %add3A_53 = arith.constant 5 : i32
    %add3A_54 = vector.broadcast %add3A_53 : i32 to vector<16xi32>
    %add3A_55 = arith.addi %iota3A, %add3A_54 : vector<16xi32>
    %and3A_56 = arith.constant 15 : i32
    %and3A_57 = vector.broadcast %and3A_56 : i32 to vector<16xi32>
    %and3A_58 = arith.andi %add3A_55, %and3A_57 : vector<16xi32>
    %add3A_59 = arith.constant 6 : i32
    %add3A_60 = vector.broadcast %add3A_59 : i32 to vector<16xi32>
    %add3A_61 = arith.addi %iota3A, %add3A_60 : vector<16xi32>
    %and3A_62 = arith.constant 15 : i32
    %and3A_63 = vector.broadcast %and3A_62 : i32 to vector<16xi32>
    %and3A_64 = arith.andi %add3A_61, %and3A_63 : vector<16xi32>
    %add3A_65 = arith.constant 7 : i32
    %add3A_66 = vector.broadcast %add3A_65 : i32 to vector<16xi32>
    %add3A_67 = arith.addi %iota3A, %add3A_66 : vector<16xi32>
    %and3A_68 = arith.constant 15 : i32
    %and3A_69 = vector.broadcast %and3A_68 : i32 to vector<16xi32>
    %and3A_70 = arith.andi %add3A_67, %and3A_69 : vector<16xi32>
    %add3A_71 = arith.constant 8 : i32
    %add3A_72 = vector.broadcast %add3A_71 : i32 to vector<16xi32>
    %add3A_73 = arith.addi %iota3A, %add3A_72 : vector<16xi32>
    %and3A_74 = arith.constant 15 : i32
    %and3A_75 = vector.broadcast %and3A_74 : i32 to vector<16xi32>
    %and3A_76 = arith.andi %add3A_73, %and3A_75 : vector<16xi32>
    %add3A_77 = arith.constant 9 : i32
    %add3A_78 = vector.broadcast %add3A_77 : i32 to vector<16xi32>
    %add3A_79 = arith.addi %iota3A, %add3A_78 : vector<16xi32>
    %and3A_80 = arith.constant 15 : i32
    %and3A_81 = vector.broadcast %and3A_80 : i32 to vector<16xi32>
    %and3A_82 = arith.andi %add3A_79, %and3A_81 : vector<16xi32>
    %add3A_83 = arith.constant 10 : i32
    %add3A_84 = vector.broadcast %add3A_83 : i32 to vector<16xi32>
    %add3A_85 = arith.addi %iota3A, %add3A_84 : vector<16xi32>
    %and3A_86 = arith.constant 15 : i32
    %and3A_87 = vector.broadcast %and3A_86 : i32 to vector<16xi32>
    %and3A_88 = arith.andi %add3A_85, %and3A_87 : vector<16xi32>
    %add3A_89 = arith.constant 11 : i32
    %add3A_90 = vector.broadcast %add3A_89 : i32 to vector<16xi32>
    %add3A_91 = arith.addi %iota3A, %add3A_90 : vector<16xi32>
    %and3A_92 = arith.constant 15 : i32
    %and3A_93 = vector.broadcast %and3A_92 : i32 to vector<16xi32>
    %and3A_94 = arith.andi %add3A_91, %and3A_93 : vector<16xi32>
    %add3A_95 = arith.constant 12 : i32
    %add3A_96 = vector.broadcast %add3A_95 : i32 to vector<16xi32>
    %add3A_97 = arith.addi %iota3A, %add3A_96 : vector<16xi32>
    %and3A_98 = arith.constant 15 : i32
    %and3A_99 = vector.broadcast %and3A_98 : i32 to vector<16xi32>
    %and3A_100 = arith.andi %add3A_97, %and3A_99 : vector<16xi32>
    %add3A_101 = arith.constant 13 : i32
    %add3A_102 = vector.broadcast %add3A_101 : i32 to vector<16xi32>
    %add3A_103 = arith.addi %iota3A, %add3A_102 : vector<16xi32>
    %and3A_104 = arith.constant 15 : i32
    %and3A_105 = vector.broadcast %and3A_104 : i32 to vector<16xi32>
    %and3A_106 = arith.andi %add3A_103, %and3A_105 : vector<16xi32>
    %add3A_107 = arith.constant 14 : i32
    %add3A_108 = vector.broadcast %add3A_107 : i32 to vector<16xi32>
    %add3A_109 = arith.addi %iota3A, %add3A_108 : vector<16xi32>
    %and3A_110 = arith.constant 15 : i32
    %and3A_111 = vector.broadcast %and3A_110 : i32 to vector<16xi32>
    %and3A_112 = arith.andi %add3A_109, %and3A_111 : vector<16xi32>
    %add3A_113 = arith.constant 15 : i32
    %add3A_114 = vector.broadcast %add3A_113 : i32 to vector<16xi32>
    %add3A_115 = arith.addi %iota3A, %add3A_114 : vector<16xi32>
    %and3A_116 = arith.constant 15 : i32
    %and3A_117 = vector.broadcast %and3A_116 : i32 to vector<16xi32>
    %and3A_118 = arith.andi %add3A_115, %and3A_117 : vector<16xi32>
    %iota3A_119 = tpu.iota {dimensions = array<i32: 0>} : vector<16xi32>
    %and3A_120 = arith.constant 7 : i32
    %and3A_121 = vector.broadcast %and3A_120 : i32 to vector<16xi32>
    %and3A_122 = arith.andi %iota3A_119, %and3A_121 : vector<16xi32>
    %shift_right_logical3A = arith.constant 3 : i32
    %shift_right_logical3A_123 = vector.broadcast %shift_right_logical3A : i32 to vector<16xi32>
    %shift_right_logical3A_124 = arith.shrui %iota3A_119, %shift_right_logical3A_123 : vector<16xi32>
    %mul3A_125 = arith.constant 2 : i32
    %mul3A_126 = vector.broadcast %mul3A_125 : i32 to vector<16xi32>
    %mul3A_127 = arith.muli %mul3A_126, %and3A_122 : vector<16xi32>
    %add3A_128 = arith.addi %mul3A_127, %shift_right_logical3A_124 : vector<16xi32>
    %mul3A_129 = arith.constant 64 : i32
    %mul3A_130 = vector.broadcast %mul3A_129 : i32 to vector<16xi32>
    %mul3A_131 = arith.muli %shift_right_logical3A_124, %mul3A_130 : vector<16xi32>
    %gt3A = arith.constant 0 : i32
    %gt3A_132 = arith.cmpi sgt, %select_n3A, %gt3A : i32
    %convert_element_type3A = arith.extui %gt3A_132 : i1 to i32
    %cond3A = arith.constant 0 : i32
    %cond3A_133 = arith.cmpi ne, %convert_element_type3A, %cond3A : i32
    scf.if %cond3A_133 {
      %add3A_161 = arith.constant 0 : i32
      %add3A_162 = arith.addi %add3A, %add3A_161 : i32
      %mul3A_163 = arith.constant 128 : i32
      %mul3A_164 = arith.muli %add3A_162, %mul3A_163 : i32
      %dma_start3A = arith.constant 0 : i32
      %dma_start3A_165 = tpu.memref_slice %arg2[%dma_start3A, %mul3A_164] : memref<64x1000000xf32, #tpu.memory_space<hbm>> -> memref<64x128xf32, #tpu.memory_space<hbm>>
      %dma_start3A_166 = arith.constant 0 : i32
      %dma_start3A_167 = tpu.memref_slice %arg2[%dma_start3A_166, %mul3A_164] : memref<64x1000000xf32, #tpu.memory_space<hbm>> -> memref<64x128xf32, #tpu.memory_space<hbm>>
      tpu.enqueue_dma source(%dma_start3A_167 : memref<64x128xf32, #tpu.memory_space<hbm>>) target(%arg4 : memref<64x128xf32, #tpu.memory_space<vmem>>) target_semaphore(%arg8 : memref<!tpu.dma_semaphore, #tpu.memory_space<semaphore_mem>>)
    } else {
    }
    %sub3A_134 = arith.constant 0 : i32
    %sub3A_135 = arith.subi %select_n3A, %sub3A_134 : i32
    %sub3A_136 = arith.constant 1 : i32
    %sub3A_137 = arith.constant 1 : i32
    %sub3A_138 = arith.subi %sub3A_136, %sub3A_137 : i32
    %add3A_139 = arith.addi %sub3A_135, %sub3A_138 : i32
    %div3A_140 = arith.constant 1 : i32
    %div3A_141 = arith.divsi %add3A_139, %div3A_140 : i32
    %while3A = arith.constant 1 : i32
    %while3A_142 = arith.constant 0 : i32
    %while3A_143 = arith.constant 0 : i32
    %while3A_144 = arith.subi %div3A_141, %while3A_143 : i32
    %while3A_145 = arith.addi %while3A_143, %while3A_144 : i32
    %while3A_146 = arith.constant 1 : i32
    %while3A_147 = arith.divsi %while3A_144, %while3A_146 : i32
    %while3A_148 = arith.muli %while3A_147, %while3A_146 : i32
    %while3A_149 = arith.addi %while3A_143, %while3A_148 : i32
    %while3A_150 = arith.constant 1 : i32
    scf.for %while3A_161 = %while3A_143 to %while3A_149 step %while3A_150  : i32 {
      %mul3A_162 = arith.muli %while3A_161, %while3A : i32
      %add3A_163 = arith.addi %while3A_142, %mul3A_162 : i32
      %and3A_164 = arith.constant 1 : i32
      %and3A_165 = arith.andi %add3A_163, %and3A_164 : i32
      %eq3A = arith.constant 0 : i32
      %eq3A_166 = arith.cmpi eq, %and3A_165, %eq3A : i32
      %convert_element_type3A_167 = arith.extui %eq3A_166 : i1 to i32
      %cond3A_168 = arith.constant 0 : i32
      %cond3A_169 = arith.cmpi ne, %convert_element_type3A_167, %cond3A_168 : i32
      scf.if %cond3A_169 {
        %add3A_177 = arith.constant 1 : i32
        %add3A_178 = arith.addi %add3A_163, %add3A_177 : i32
        %lt3A = arith.cmpi slt, %add3A_178, %select_n3A : i32
        %convert_element_type3A_179 = arith.extui %lt3A : i1 to i32
        %cond3A_180 = arith.constant 0 : i32
        %cond3A_181 = arith.cmpi ne, %convert_element_type3A_179, %cond3A_180 : i32
        scf.if %cond3A_181 {
          %add3A_207 = arith.constant 1 : i32
          %add3A_208 = arith.addi %add3A_163, %add3A_207 : i32
          %mul3A_209 = arith.constant 32 : i32
          %mul3A_210 = arith.muli %add3A_208, %mul3A_209 : i32
          %add3A_211 = arith.addi %add3A, %mul3A_210 : i32
          %mul3A_212 = arith.constant 128 : i32
          %mul3A_213 = arith.muli %add3A_211, %mul3A_212 : i32
          %dma_start3A_214 = arith.constant 0 : i32
          %dma_start3A_215 = tpu.memref_slice %arg2[%dma_start3A_214, %mul3A_213] : memref<64x1000000xf32, #tpu.memory_space<hbm>> -> memref<64x128xf32, #tpu.memory_space<hbm>>
          %dma_start3A_216 = arith.constant 0 : i32
          %dma_start3A_217 = tpu.memref_slice %arg2[%dma_start3A_216, %mul3A_213] : memref<64x1000000xf32, #tpu.memory_space<hbm>> -> memref<64x128xf32, #tpu.memory_space<hbm>>
          tpu.enqueue_dma source(%dma_start3A_217 : memref<64x128xf32, #tpu.memory_space<hbm>>) target(%arg5 : memref<64x128xf32, #tpu.memory_space<vmem>>) target_semaphore(%arg9 : memref<!tpu.dma_semaphore, #tpu.memory_space<semaphore_mem>>)
        } else {
        }
        %mul3A_182 = arith.constant 32 : i32
        %mul3A_183 = arith.muli %add3A_163, %mul3A_182 : i32
        %add3A_184 = arith.addi %add3A, %mul3A_183 : i32
        %mul3A_185 = arith.constant 128 : i32
        %mul3A_186 = arith.muli %add3A_184, %mul3A_185 : i32
        %dma_wait3A = arith.constant 0 : i32
        %dma_wait3A_187 = tpu.memref_slice %arg2[%dma_wait3A, %mul3A_186] : memref<64x1000000xf32, #tpu.memory_space<hbm>> -> memref<64x128xf32, #tpu.memory_space<hbm>>
        %dma_wait3A_188 = arith.constant 0 : i32
        %dma_wait3A_189 = tpu.memref_slice %arg2[%dma_wait3A_188, %mul3A_186] : memref<64x1000000xf32, #tpu.memory_space<hbm>> -> memref<64x128xf32, #tpu.memory_space<hbm>>
        tpu.wait_dma2 semaphore(%arg8 : memref<!tpu.dma_semaphore, #tpu.memory_space<semaphore_mem>>) src(%dma_wait3A_189 : memref<64x128xf32, #tpu.memory_space<hbm>>) dst(%arg4 : memref<64x128xf32, #tpu.memory_space<vmem>>)
        %ge3A_190 = arith.constant 2 : i32
        %ge3A_191 = arith.cmpi sge, %add3A_163, %ge3A_190 : i32
        %convert_element_type3A_192 = arith.extui %ge3A_191 : i1 to i32
        %cond3A_193 = arith.constant 0 : i32
        %cond3A_194 = arith.cmpi ne, %convert_element_type3A_192, %cond3A_193 : i32
        scf.if %cond3A_194 {
          %add3A_207 = arith.constant 0 : i32
          %add3A_208 = arith.addi %add3A, %add3A_207 : i32
          %mul3A_209 = arith.constant 64 : i32
          %mul3A_210 = arith.muli %add3A_208, %mul3A_209 : i32
          %dma_wait3A_211 = arith.constant 0 : i32
          %dma_wait3A_212 = tpu.memref_slice %arg3[%mul3A_210, %dma_wait3A_211] : memref<500032x128xf32, #tpu.memory_space<hbm>> -> memref<64x128xf32, #tpu.memory_space<hbm>>
          %dma_wait3A_213 = arith.constant 0 : i32
          %dma_wait3A_214 = tpu.memref_slice %arg3[%mul3A_210, %dma_wait3A_213] : memref<500032x128xf32, #tpu.memory_space<hbm>> -> memref<64x128xf32, #tpu.memory_space<hbm>>
          tpu.wait_dma2 semaphore(%arg10 : memref<!tpu.dma_semaphore, #tpu.memory_space<semaphore_mem>>) src(%arg6 : memref<64x128xf32, #tpu.memory_space<vmem>>) dst(%dma_wait3A_214 : memref<64x128xf32, #tpu.memory_space<hbm>>)
        } else {
        }
        %scan3A = arith.constant 0 : i32
        %scan3A_195 = arith.constant 8 : i32
        %scan3A_196 = arith.addi %scan3A, %scan3A_195 : i32
        %scan3A_197 = arith.constant 1 : i32
        scf.for %scan3A_207 = %scan3A to %scan3A_196 step %scan3A_197  : i32 {
          %mul3A_208 = arith.constant 1 : i32
          %mul3A_209 = arith.muli %scan3A_207, %mul3A_208 : i32
          %add3A_210 = arith.constant 0 : i32
          %add3A_211 = arith.addi %add3A_210, %mul3A_209 : i32
          %mul3A_212 = arith.constant 16 : i32
          %mul3A_213 = arith.muli %mul3A_212, %add3A_211 : i32
          %add3A_214 = vector.broadcast %mul3A_213 : i32 to vector<16xi32>
          %add3A_215 = arith.addi %add3A_128, %add3A_214 : vector<16xi32>
          %mul3A_216 = arith.constant 8 : i32
          %mul3A_217 = arith.muli %mul3A_216, %add3A_211 : i32
          %add3A_218 = vector.broadcast %mul3A_217 : i32 to vector<16xi32>
          %add3A_219 = arith.addi %and3A_122, %add3A_218 : vector<16xi32>
          %scan3A_220 = arith.constant 0 : i32
          %scan3A_221 = arith.constant 4 : i32
          %scan3A_222 = arith.addi %scan3A_220, %scan3A_221 : i32
          %scan3A_223 = arith.constant 1 : i32
          scf.for %scan3A_225 = %scan3A_220 to %scan3A_222 step %scan3A_223  : i32 {
            %mul3A_226 = arith.constant 1 : i32
            %mul3A_227 = arith.muli %scan3A_225, %mul3A_226 : i32
            %add3A_228 = arith.constant 0 : i32
            %add3A_229 = arith.addi %add3A_228, %mul3A_227 : i32
            %mul3A_230 = arith.constant 16 : i32
            %mul3A_231 = arith.muli %mul3A_230, %add3A_229 : i32
            %add3A_232 = vector.broadcast %mul3A_231 : i32 to vector<16xi32>
            %add3A_233 = arith.addi %and3A_28, %add3A_232 : vector<16xi32>
            %gather3A = tpu.vector_load_idx %arg4[%add3A_233, %add3A_215] : memref<64x128xf32, #tpu.memory_space<vmem>>[vector<16xi32>, vector<16xi32>], vector<16xf32>,
            %add3A_234 = arith.addi %mul3A_131, %add3A_233 : vector<16xi32>
            tpu.vector_store_idx %arg6[%add3A_219, %add3A_234], %gather3A : memref<64x128xf32, #tpu.memory_space<vmem>>[vector<16xi32>, vector<16xi32>], vector<16xf32>,
            %mul3A_235 = arith.constant 16 : i32
            %mul3A_236 = arith.muli %mul3A_235, %add3A_229 : i32
            %add3A_237 = vector.broadcast %mul3A_236 : i32 to vector<16xi32>
            %add3A_238 = arith.addi %and3A_34, %add3A_237 : vector<16xi32>
            %gather3A_239 = tpu.vector_load_idx %arg4[%add3A_238, %add3A_215] : memref<64x128xf32, #tpu.memory_space<vmem>>[vector<16xi32>, vector<16xi32>], vector<16xf32>,
            %add3A_240 = arith.addi %mul3A_131, %add3A_238 : vector<16xi32>
            tpu.vector_store_idx %arg6[%add3A_219, %add3A_240], %gather3A_239 : memref<64x128xf32, #tpu.memory_space<vmem>>[vector<16xi32>, vector<16xi32>], vector<16xf32>,
            %mul3A_241 = arith.constant 16 : i32
            %mul3A_242 = arith.muli %mul3A_241, %add3A_229 : i32
            %add3A_243 = vector.broadcast %mul3A_242 : i32 to vector<16xi32>
            %add3A_244 = arith.addi %and3A_40, %add3A_243 : vector<16xi32>
            %gather3A_245 = tpu.vector_load_idx %arg4[%add3A_244, %add3A_215] : memref<64x128xf32, #tpu.memory_space<vmem>>[vector<16xi32>, vector<16xi32>], vector<16xf32>,
            %add3A_246 = arith.addi %mul3A_131, %add3A_244 : vector<16xi32>
            tpu.vector_store_idx %arg6[%add3A_219, %add3A_246], %gather3A_245 : memref<64x128xf32, #tpu.memory_space<vmem>>[vector<16xi32>, vector<16xi32>], vector<16xf32>,
            %mul3A_247 = arith.constant 16 : i32
            %mul3A_248 = arith.muli %mul3A_247, %add3A_229 : i32
            %add3A_249 = vector.broadcast %mul3A_248 : i32 to vector<16xi32>
            %add3A_250 = arith.addi %and3A_46, %add3A_249 : vector<16xi32>
            %gather3A_251 = tpu.vector_load_idx %arg4[%add3A_250, %add3A_215] : memref<64x128xf32, #tpu.memory_space<vmem>>[vector<16xi32>, vector<16xi32>], vector<16xf32>,
            %add3A_252 = arith.addi %mul3A_131, %add3A_250 : vector<16xi32>
            tpu.vector_store_idx %arg6[%add3A_219, %add3A_252], %gather3A_251 : memref<64x128xf32, #tpu.memory_space<vmem>>[vector<16xi32>, vector<16xi32>], vector<16xf32>,
            %mul3A_253 = arith.constant 16 : i32
            %mul3A_254 = arith.muli %mul3A_253, %add3A_229 : i32
            %add3A_255 = vector.broadcast %mul3A_254 : i32 to vector<16xi32>
            %add3A_256 = arith.addi %and3A_52, %add3A_255 : vector<16xi32>
            %gather3A_257 = tpu.vector_load_idx %arg4[%add3A_256, %add3A_215] : memref<64x128xf32, #tpu.memory_space<vmem>>[vector<16xi32>, vector<16xi32>], vector<16xf32>,
            %add3A_258 = arith.addi %mul3A_131, %add3A_256 : vector<16xi32>
            tpu.vector_store_idx %arg6[%add3A_219, %add3A_258], %gather3A_257 : memref<64x128xf32, #tpu.memory_space<vmem>>[vector<16xi32>, vector<16xi32>], vector<16xf32>,
            %mul3A_259 = arith.constant 16 : i32
            %mul3A_260 = arith.muli %mul3A_259, %add3A_229 : i32
            %add3A_261 = vector.broadcast %mul3A_260 : i32 to vector<16xi32>
            %add3A_262 = arith.addi %and3A_58, %add3A_261 : vector<16xi32>
            %gather3A_263 = tpu.vector_load_idx %arg4[%add3A_262, %add3A_215] : memref<64x128xf32, #tpu.memory_space<vmem>>[vector<16xi32>, vector<16xi32>], vector<16xf32>,
            %add3A_264 = arith.addi %mul3A_131, %add3A_262 : vector<16xi32>
            tpu.vector_store_idx %arg6[%add3A_219, %add3A_264], %gather3A_263 : memref<64x128xf32, #tpu.memory_space<vmem>>[vector<16xi32>, vector<16xi32>], vector<16xf32>,
            %mul3A_265 = arith.constant 16 : i32
            %mul3A_266 = arith.muli %mul3A_265, %add3A_229 : i32
            %add3A_267 = vector.broadcast %mul3A_266 : i32 to vector<16xi32>
            %add3A_268 = arith.addi %and3A_64, %add3A_267 : vector<16xi32>
            %gather3A_269 = tpu.vector_load_idx %arg4[%add3A_268, %add3A_215] : memref<64x128xf32, #tpu.memory_space<vmem>>[vector<16xi32>, vector<16xi32>], vector<16xf32>,
            %add3A_270 = arith.addi %mul3A_131, %add3A_268 : vector<16xi32>
            tpu.vector_store_idx %arg6[%add3A_219, %add3A_270], %gather3A_269 : memref<64x128xf32, #tpu.memory_space<vmem>>[vector<16xi32>, vector<16xi32>], vector<16xf32>,
            %mul3A_271 = arith.constant 16 : i32
            %mul3A_272 = arith.muli %mul3A_271, %add3A_229 : i32
            %add3A_273 = vector.broadcast %mul3A_272 : i32 to vector<16xi32>
            %add3A_274 = arith.addi %and3A_70, %add3A_273 : vector<16xi32>
            %gather3A_275 = tpu.vector_load_idx %arg4[%add3A_274, %add3A_215] : memref<64x128xf32, #tpu.memory_space<vmem>>[vector<16xi32>, vector<16xi32>], vector<16xf32>,
            %add3A_276 = arith.addi %mul3A_131, %add3A_274 : vector<16xi32>
            tpu.vector_store_idx %arg6[%add3A_219, %add3A_276], %gather3A_275 : memref<64x128xf32, #tpu.memory_space<vmem>>[vector<16xi32>, vector<16xi32>], vector<16xf32>,
            %mul3A_277 = arith.constant 16 : i32
            %mul3A_278 = arith.muli %mul3A_277, %add3A_229 : i32
            %add3A_279 = vector.broadcast %mul3A_278 : i32 to vector<16xi32>
            %add3A_280 = arith.addi %and3A_76, %add3A_279 : vector<16xi32>
            %gather3A_281 = tpu.vector_load_idx %arg4[%add3A_280, %add3A_215] : memref<64x128xf32, #tpu.memory_space<vmem>>[vector<16xi32>, vector<16xi32>], vector<16xf32>,
            %add3A_282 = arith.addi %mul3A_131, %add3A_280 : vector<16xi32>
            tpu.vector_store_idx %arg6[%add3A_219, %add3A_282], %gather3A_281 : memref<64x128xf32, #tpu.memory_space<vmem>>[vector<16xi32>, vector<16xi32>], vector<16xf32>,
            %mul3A_283 = arith.constant 16 : i32
            %mul3A_284 = arith.muli %mul3A_283, %add3A_229 : i32
            %add3A_285 = vector.broadcast %mul3A_284 : i32 to vector<16xi32>
            %add3A_286 = arith.addi %and3A_82, %add3A_285 : vector<16xi32>
            %gather3A_287 = tpu.vector_load_idx %arg4[%add3A_286, %add3A_215] : memref<64x128xf32, #tpu.memory_space<vmem>>[vector<16xi32>, vector<16xi32>], vector<16xf32>,
            %add3A_288 = arith.addi %mul3A_131, %add3A_286 : vector<16xi32>
            tpu.vector_store_idx %arg6[%add3A_219, %add3A_288], %gather3A_287 : memref<64x128xf32, #tpu.memory_space<vmem>>[vector<16xi32>, vector<16xi32>], vector<16xf32>,
            %mul3A_289 = arith.constant 16 : i32
            %mul3A_290 = arith.muli %mul3A_289, %add3A_229 : i32
            %add3A_291 = vector.broadcast %mul3A_290 : i32 to vector<16xi32>
            %add3A_292 = arith.addi %and3A_88, %add3A_291 : vector<16xi32>
            %gather3A_293 = tpu.vector_load_idx %arg4[%add3A_292, %add3A_215] : memref<64x128xf32, #tpu.memory_space<vmem>>[vector<16xi32>, vector<16xi32>], vector<16xf32>,
            %add3A_294 = arith.addi %mul3A_131, %add3A_292 : vector<16xi32>
            tpu.vector_store_idx %arg6[%add3A_219, %add3A_294], %gather3A_293 : memref<64x128xf32, #tpu.memory_space<vmem>>[vector<16xi32>, vector<16xi32>], vector<16xf32>,
            %mul3A_295 = arith.constant 16 : i32
            %mul3A_296 = arith.muli %mul3A_295, %add3A_229 : i32
            %add3A_297 = vector.broadcast %mul3A_296 : i32 to vector<16xi32>
            %add3A_298 = arith.addi %and3A_94, %add3A_297 : vector<16xi32>
            %gather3A_299 = tpu.vector_load_idx %arg4[%add3A_298, %add3A_215] : memref<64x128xf32, #tpu.memory_space<vmem>>[vector<16xi32>, vector<16xi32>], vector<16xf32>,
            %add3A_300 = arith.addi %mul3A_131, %add3A_298 : vector<16xi32>
            tpu.vector_store_idx %arg6[%add3A_219, %add3A_300], %gather3A_299 : memref<64x128xf32, #tpu.memory_space<vmem>>[vector<16xi32>, vector<16xi32>], vector<16xf32>,
            %mul3A_301 = arith.constant 16 : i32
            %mul3A_302 = arith.muli %mul3A_301, %add3A_229 : i32
            %add3A_303 = vector.broadcast %mul3A_302 : i32 to vector<16xi32>
            %add3A_304 = arith.addi %and3A_100, %add3A_303 : vector<16xi32>
            %gather3A_305 = tpu.vector_load_idx %arg4[%add3A_304, %add3A_215] : memref<64x128xf32, #tpu.memory_space<vmem>>[vector<16xi32>, vector<16xi32>], vector<16xf32>,
            %add3A_306 = arith.addi %mul3A_131, %add3A_304 : vector<16xi32>
            tpu.vector_store_idx %arg6[%add3A_219, %add3A_306], %gather3A_305 : memref<64x128xf32, #tpu.memory_space<vmem>>[vector<16xi32>, vector<16xi32>], vector<16xf32>,
            %mul3A_307 = arith.constant 16 : i32
            %mul3A_308 = arith.muli %mul3A_307, %add3A_229 : i32
            %add3A_309 = vector.broadcast %mul3A_308 : i32 to vector<16xi32>
            %add3A_310 = arith.addi %and3A_106, %add3A_309 : vector<16xi32>
            %gather3A_311 = tpu.vector_load_idx %arg4[%add3A_310, %add3A_215] : memref<64x128xf32, #tpu.memory_space<vmem>>[vector<16xi32>, vector<16xi32>], vector<16xf32>,
            %add3A_312 = arith.addi %mul3A_131, %add3A_310 : vector<16xi32>
            tpu.vector_store_idx %arg6[%add3A_219, %add3A_312], %gather3A_311 : memref<64x128xf32, #tpu.memory_space<vmem>>[vector<16xi32>, vector<16xi32>], vector<16xf32>,
            %mul3A_313 = arith.constant 16 : i32
            %mul3A_314 = arith.muli %mul3A_313, %add3A_229 : i32
            %add3A_315 = vector.broadcast %mul3A_314 : i32 to vector<16xi32>
            %add3A_316 = arith.addi %and3A_112, %add3A_315 : vector<16xi32>
            %gather3A_317 = tpu.vector_load_idx %arg4[%add3A_316, %add3A_215] : memref<64x128xf32, #tpu.memory_space<vmem>>[vector<16xi32>, vector<16xi32>], vector<16xf32>,
            %add3A_318 = arith.addi %mul3A_131, %add3A_316 : vector<16xi32>
            tpu.vector_store_idx %arg6[%add3A_219, %add3A_318], %gather3A_317 : memref<64x128xf32, #tpu.memory_space<vmem>>[vector<16xi32>, vector<16xi32>], vector<16xf32>,
            %mul3A_319 = arith.constant 16 : i32
            %mul3A_320 = arith.muli %mul3A_319, %add3A_229 : i32
            %add3A_321 = vector.broadcast %mul3A_320 : i32 to vector<16xi32>
            %add3A_322 = arith.addi %and3A_118, %add3A_321 : vector<16xi32>
            %gather3A_323 = tpu.vector_load_idx %arg4[%add3A_322, %add3A_215] : memref<64x128xf32, #tpu.memory_space<vmem>>[vector<16xi32>, vector<16xi32>], vector<16xf32>,
            %add3A_324 = arith.addi %mul3A_131, %add3A_322 : vector<16xi32>
            tpu.vector_store_idx %arg6[%add3A_219, %add3A_324], %gather3A_323 : memref<64x128xf32, #tpu.memory_space<vmem>>[vector<16xi32>, vector<16xi32>], vector<16xf32>,
          }
          %scan3A_224 = arith.constant 4 : i32
        }
        %scan3A_198 = arith.constant 8 : i32
        %mul3A_199 = arith.constant 32 : i32
        %mul3A_200 = arith.muli %add3A_163, %mul3A_199 : i32
        %add3A_201 = arith.addi %add3A, %mul3A_200 : i32
        %mul3A_202 = arith.constant 64 : i32
        %mul3A_203 = arith.muli %add3A_201, %mul3A_202 : i32
        %dma_start3A = arith.constant 0 : i32
        %dma_start3A_204 = tpu.memref_slice %arg3[%mul3A_203, %dma_start3A] : memref<500032x128xf32, #tpu.memory_space<hbm>> -> memref<64x128xf32, #tpu.memory_space<hbm>>
        %dma_start3A_205 = arith.constant 0 : i32
        %dma_start3A_206 = tpu.memref_slice %arg3[%mul3A_203, %dma_start3A_205] : memref<500032x128xf32, #tpu.memory_space<hbm>> -> memref<64x128xf32, #tpu.memory_space<hbm>>
        tpu.enqueue_dma source(%arg6 : memref<64x128xf32, #tpu.memory_space<vmem>>) target(%dma_start3A_206 : memref<64x128xf32, #tpu.memory_space<hbm>>) target_semaphore(%arg10 : memref<!tpu.dma_semaphore, #tpu.memory_space<semaphore_mem>>)
      } else {
      }
      %and3A_170 = arith.constant 1 : i32
      %and3A_171 = arith.andi %add3A_163, %and3A_170 : i32
      %eq3A_172 = arith.constant 1 : i32
      %eq3A_173 = arith.cmpi eq, %and3A_171, %eq3A_172 : i32
      %convert_element_type3A_174 = arith.extui %eq3A_173 : i1 to i32
      %cond3A_175 = arith.constant 0 : i32
      %cond3A_176 = arith.cmpi ne, %convert_element_type3A_174, %cond3A_175 : i32
      scf.if %cond3A_176 {
        %add3A_177 = arith.constant 1 : i32
        %add3A_178 = arith.addi %add3A_163, %add3A_177 : i32
        %lt3A = arith.cmpi slt, %add3A_178, %select_n3A : i32
        %convert_element_type3A_179 = arith.extui %lt3A : i1 to i32
        %cond3A_180 = arith.constant 0 : i32
        %cond3A_181 = arith.cmpi ne, %convert_element_type3A_179, %cond3A_180 : i32
        scf.if %cond3A_181 {
          %add3A_207 = arith.constant 1 : i32
          %add3A_208 = arith.addi %add3A_163, %add3A_207 : i32
          %mul3A_209 = arith.constant 32 : i32
          %mul3A_210 = arith.muli %add3A_208, %mul3A_209 : i32
          %add3A_211 = arith.addi %add3A, %mul3A_210 : i32
          %mul3A_212 = arith.constant 128 : i32
          %mul3A_213 = arith.muli %add3A_211, %mul3A_212 : i32
          %dma_start3A_214 = arith.constant 0 : i32
          %dma_start3A_215 = tpu.memref_slice %arg2[%dma_start3A_214, %mul3A_213] : memref<64x1000000xf32, #tpu.memory_space<hbm>> -> memref<64x128xf32, #tpu.memory_space<hbm>>
          %dma_start3A_216 = arith.constant 0 : i32
          %dma_start3A_217 = tpu.memref_slice %arg2[%dma_start3A_216, %mul3A_213] : memref<64x1000000xf32, #tpu.memory_space<hbm>> -> memref<64x128xf32, #tpu.memory_space<hbm>>
          tpu.enqueue_dma source(%dma_start3A_217 : memref<64x128xf32, #tpu.memory_space<hbm>>) target(%arg4 : memref<64x128xf32, #tpu.memory_space<vmem>>) target_semaphore(%arg8 : memref<!tpu.dma_semaphore, #tpu.memory_space<semaphore_mem>>)
        } else {
        }
        %mul3A_182 = arith.constant 32 : i32
        %mul3A_183 = arith.muli %add3A_163, %mul3A_182 : i32
        %add3A_184 = arith.addi %add3A, %mul3A_183 : i32
        %mul3A_185 = arith.constant 128 : i32
        %mul3A_186 = arith.muli %add3A_184, %mul3A_185 : i32
        %dma_wait3A = arith.constant 0 : i32
        %dma_wait3A_187 = tpu.memref_slice %arg2[%dma_wait3A, %mul3A_186] : memref<64x1000000xf32, #tpu.memory_space<hbm>> -> memref<64x128xf32, #tpu.memory_space<hbm>>
        %dma_wait3A_188 = arith.constant 0 : i32
        %dma_wait3A_189 = tpu.memref_slice %arg2[%dma_wait3A_188, %mul3A_186] : memref<64x1000000xf32, #tpu.memory_space<hbm>> -> memref<64x128xf32, #tpu.memory_space<hbm>>
        tpu.wait_dma2 semaphore(%arg9 : memref<!tpu.dma_semaphore, #tpu.memory_space<semaphore_mem>>) src(%dma_wait3A_189 : memref<64x128xf32, #tpu.memory_space<hbm>>) dst(%arg5 : memref<64x128xf32, #tpu.memory_space<vmem>>)
        %ge3A_190 = arith.constant 2 : i32
        %ge3A_191 = arith.cmpi sge, %add3A_163, %ge3A_190 : i32
        %convert_element_type3A_192 = arith.extui %ge3A_191 : i1 to i32
        %cond3A_193 = arith.constant 0 : i32
        %cond3A_194 = arith.cmpi ne, %convert_element_type3A_192, %cond3A_193 : i32
        scf.if %cond3A_194 {
          %add3A_207 = arith.constant 0 : i32
          %add3A_208 = arith.addi %add3A, %add3A_207 : i32
          %mul3A_209 = arith.constant 64 : i32
          %mul3A_210 = arith.muli %add3A_208, %mul3A_209 : i32
          %dma_wait3A_211 = arith.constant 0 : i32
          %dma_wait3A_212 = tpu.memref_slice %arg3[%mul3A_210, %dma_wait3A_211] : memref<500032x128xf32, #tpu.memory_space<hbm>> -> memref<64x128xf32, #tpu.memory_space<hbm>>
          %dma_wait3A_213 = arith.constant 0 : i32
          %dma_wait3A_214 = tpu.memref_slice %arg3[%mul3A_210, %dma_wait3A_213] : memref<500032x128xf32, #tpu.memory_space<hbm>> -> memref<64x128xf32, #tpu.memory_space<hbm>>
          tpu.wait_dma2 semaphore(%arg11 : memref<!tpu.dma_semaphore, #tpu.memory_space<semaphore_mem>>) src(%arg7 : memref<64x128xf32, #tpu.memory_space<vmem>>) dst(%dma_wait3A_214 : memref<64x128xf32, #tpu.memory_space<hbm>>)
        } else {
        }
        %scan3A = arith.constant 0 : i32
        %scan3A_195 = arith.constant 8 : i32
        %scan3A_196 = arith.addi %scan3A, %scan3A_195 : i32
        %scan3A_197 = arith.constant 1 : i32
        scf.for %scan3A_207 = %scan3A to %scan3A_196 step %scan3A_197  : i32 {
          %mul3A_208 = arith.constant 1 : i32
          %mul3A_209 = arith.muli %scan3A_207, %mul3A_208 : i32
          %add3A_210 = arith.constant 0 : i32
          %add3A_211 = arith.addi %add3A_210, %mul3A_209 : i32
          %mul3A_212 = arith.constant 16 : i32
          %mul3A_213 = arith.muli %mul3A_212, %add3A_211 : i32
          %add3A_214 = vector.broadcast %mul3A_213 : i32 to vector<16xi32>
          %add3A_215 = arith.addi %add3A_128, %add3A_214 : vector<16xi32>
          %mul3A_216 = arith.constant 8 : i32
          %mul3A_217 = arith.muli %mul3A_216, %add3A_211 : i32
          %add3A_218 = vector.broadcast %mul3A_217 : i32 to vector<16xi32>
          %add3A_219 = arith.addi %and3A_122, %add3A_218 : vector<16xi32>
          %scan3A_220 = arith.constant 0 : i32
          %scan3A_221 = arith.constant 4 : i32
          %scan3A_222 = arith.addi %scan3A_220, %scan3A_221 : i32
          %scan3A_223 = arith.constant 1 : i32
          scf.for %scan3A_225 = %scan3A_220 to %scan3A_222 step %scan3A_223  : i32 {
            %mul3A_226 = arith.constant 1 : i32
            %mul3A_227 = arith.muli %scan3A_225, %mul3A_226 : i32
            %add3A_228 = arith.constant 0 : i32
            %add3A_229 = arith.addi %add3A_228, %mul3A_227 : i32
            %mul3A_230 = arith.constant 16 : i32
            %mul3A_231 = arith.muli %mul3A_230, %add3A_229 : i32
            %add3A_232 = vector.broadcast %mul3A_231 : i32 to vector<16xi32>
            %add3A_233 = arith.addi %and3A_28, %add3A_232 : vector<16xi32>
            %gather3A = tpu.vector_load_idx %arg5[%add3A_233, %add3A_215] : memref<64x128xf32, #tpu.memory_space<vmem>>[vector<16xi32>, vector<16xi32>], vector<16xf32>,
            %add3A_234 = arith.addi %mul3A_131, %add3A_233 : vector<16xi32>
            tpu.vector_store_idx %arg7[%add3A_219, %add3A_234], %gather3A : memref<64x128xf32, #tpu.memory_space<vmem>>[vector<16xi32>, vector<16xi32>], vector<16xf32>,
            %mul3A_235 = arith.constant 16 : i32
            %mul3A_236 = arith.muli %mul3A_235, %add3A_229 : i32
            %add3A_237 = vector.broadcast %mul3A_236 : i32 to vector<16xi32>
            %add3A_238 = arith.addi %and3A_34, %add3A_237 : vector<16xi32>
            %gather3A_239 = tpu.vector_load_idx %arg5[%add3A_238, %add3A_215] : memref<64x128xf32, #tpu.memory_space<vmem>>[vector<16xi32>, vector<16xi32>], vector<16xf32>,
            %add3A_240 = arith.addi %mul3A_131, %add3A_238 : vector<16xi32>
            tpu.vector_store_idx %arg7[%add3A_219, %add3A_240], %gather3A_239 : memref<64x128xf32, #tpu.memory_space<vmem>>[vector<16xi32>, vector<16xi32>], vector<16xf32>,
            %mul3A_241 = arith.constant 16 : i32
            %mul3A_242 = arith.muli %mul3A_241, %add3A_229 : i32
            %add3A_243 = vector.broadcast %mul3A_242 : i32 to vector<16xi32>
            %add3A_244 = arith.addi %and3A_40, %add3A_243 : vector<16xi32>
            %gather3A_245 = tpu.vector_load_idx %arg5[%add3A_244, %add3A_215] : memref<64x128xf32, #tpu.memory_space<vmem>>[vector<16xi32>, vector<16xi32>], vector<16xf32>,
            %add3A_246 = arith.addi %mul3A_131, %add3A_244 : vector<16xi32>
            tpu.vector_store_idx %arg7[%add3A_219, %add3A_246], %gather3A_245 : memref<64x128xf32, #tpu.memory_space<vmem>>[vector<16xi32>, vector<16xi32>], vector<16xf32>,
            %mul3A_247 = arith.constant 16 : i32
            %mul3A_248 = arith.muli %mul3A_247, %add3A_229 : i32
            %add3A_249 = vector.broadcast %mul3A_248 : i32 to vector<16xi32>
            %add3A_250 = arith.addi %and3A_46, %add3A_249 : vector<16xi32>
            %gather3A_251 = tpu.vector_load_idx %arg5[%add3A_250, %add3A_215] : memref<64x128xf32, #tpu.memory_space<vmem>>[vector<16xi32>, vector<16xi32>], vector<16xf32>,
            %add3A_252 = arith.addi %mul3A_131, %add3A_250 : vector<16xi32>
            tpu.vector_store_idx %arg7[%add3A_219, %add3A_252], %gather3A_251 : memref<64x128xf32, #tpu.memory_space<vmem>>[vector<16xi32>, vector<16xi32>], vector<16xf32>,
            %mul3A_253 = arith.constant 16 : i32
            %mul3A_254 = arith.muli %mul3A_253, %add3A_229 : i32
            %add3A_255 = vector.broadcast %mul3A_254 : i32 to vector<16xi32>
            %add3A_256 = arith.addi %and3A_52, %add3A_255 : vector<16xi32>
            %gather3A_257 = tpu.vector_load_idx %arg5[%add3A_256, %add3A_215] : memref<64x128xf32, #tpu.memory_space<vmem>>[vector<16xi32>, vector<16xi32>], vector<16xf32>,
            %add3A_258 = arith.addi %mul3A_131, %add3A_256 : vector<16xi32>
            tpu.vector_store_idx %arg7[%add3A_219, %add3A_258], %gather3A_257 : memref<64x128xf32, #tpu.memory_space<vmem>>[vector<16xi32>, vector<16xi32>], vector<16xf32>,
            %mul3A_259 = arith.constant 16 : i32
            %mul3A_260 = arith.muli %mul3A_259, %add3A_229 : i32
            %add3A_261 = vector.broadcast %mul3A_260 : i32 to vector<16xi32>
            %add3A_262 = arith.addi %and3A_58, %add3A_261 : vector<16xi32>
            %gather3A_263 = tpu.vector_load_idx %arg5[%add3A_262, %add3A_215] : memref<64x128xf32, #tpu.memory_space<vmem>>[vector<16xi32>, vector<16xi32>], vector<16xf32>,
            %add3A_264 = arith.addi %mul3A_131, %add3A_262 : vector<16xi32>
            tpu.vector_store_idx %arg7[%add3A_219, %add3A_264], %gather3A_263 : memref<64x128xf32, #tpu.memory_space<vmem>>[vector<16xi32>, vector<16xi32>], vector<16xf32>,
            %mul3A_265 = arith.constant 16 : i32
            %mul3A_266 = arith.muli %mul3A_265, %add3A_229 : i32
            %add3A_267 = vector.broadcast %mul3A_266 : i32 to vector<16xi32>
            %add3A_268 = arith.addi %and3A_64, %add3A_267 : vector<16xi32>
            %gather3A_269 = tpu.vector_load_idx %arg5[%add3A_268, %add3A_215] : memref<64x128xf32, #tpu.memory_space<vmem>>[vector<16xi32>, vector<16xi32>], vector<16xf32>,
            %add3A_270 = arith.addi %mul3A_131, %add3A_268 : vector<16xi32>
            tpu.vector_store_idx %arg7[%add3A_219, %add3A_270], %gather3A_269 : memref<64x128xf32, #tpu.memory_space<vmem>>[vector<16xi32>, vector<16xi32>], vector<16xf32>,
            %mul3A_271 = arith.constant 16 : i32
            %mul3A_272 = arith.muli %mul3A_271, %add3A_229 : i32
            %add3A_273 = vector.broadcast %mul3A_272 : i32 to vector<16xi32>
            %add3A_274 = arith.addi %and3A_70, %add3A_273 : vector<16xi32>
            %gather3A_275 = tpu.vector_load_idx %arg5[%add3A_274, %add3A_215] : memref<64x128xf32, #tpu.memory_space<vmem>>[vector<16xi32>, vector<16xi32>], vector<16xf32>,
            %add3A_276 = arith.addi %mul3A_131, %add3A_274 : vector<16xi32>
            tpu.vector_store_idx %arg7[%add3A_219, %add3A_276], %gather3A_275 : memref<64x128xf32, #tpu.memory_space<vmem>>[vector<16xi32>, vector<16xi32>], vector<16xf32>,
            %mul3A_277 = arith.constant 16 : i32
            %mul3A_278 = arith.muli %mul3A_277, %add3A_229 : i32
            %add3A_279 = vector.broadcast %mul3A_278 : i32 to vector<16xi32>
            %add3A_280 = arith.addi %and3A_76, %add3A_279 : vector<16xi32>
            %gather3A_281 = tpu.vector_load_idx %arg5[%add3A_280, %add3A_215] : memref<64x128xf32, #tpu.memory_space<vmem>>[vector<16xi32>, vector<16xi32>], vector<16xf32>,
            %add3A_282 = arith.addi %mul3A_131, %add3A_280 : vector<16xi32>
            tpu.vector_store_idx %arg7[%add3A_219, %add3A_282], %gather3A_281 : memref<64x128xf32, #tpu.memory_space<vmem>>[vector<16xi32>, vector<16xi32>], vector<16xf32>,
            %mul3A_283 = arith.constant 16 : i32
            %mul3A_284 = arith.muli %mul3A_283, %add3A_229 : i32
            %add3A_285 = vector.broadcast %mul3A_284 : i32 to vector<16xi32>
            %add3A_286 = arith.addi %and3A_82, %add3A_285 : vector<16xi32>
            %gather3A_287 = tpu.vector_load_idx %arg5[%add3A_286, %add3A_215] : memref<64x128xf32, #tpu.memory_space<vmem>>[vector<16xi32>, vector<16xi32>], vector<16xf32>,
            %add3A_288 = arith.addi %mul3A_131, %add3A_286 : vector<16xi32>
            tpu.vector_store_idx %arg7[%add3A_219, %add3A_288], %gather3A_287 : memref<64x128xf32, #tpu.memory_space<vmem>>[vector<16xi32>, vector<16xi32>], vector<16xf32>,
            %mul3A_289 = arith.constant 16 : i32
            %mul3A_290 = arith.muli %mul3A_289, %add3A_229 : i32
            %add3A_291 = vector.broadcast %mul3A_290 : i32 to vector<16xi32>
            %add3A_292 = arith.addi %and3A_88, %add3A_291 : vector<16xi32>
            %gather3A_293 = tpu.vector_load_idx %arg5[%add3A_292, %add3A_215] : memref<64x128xf32, #tpu.memory_space<vmem>>[vector<16xi32>, vector<16xi32>], vector<16xf32>,
            %add3A_294 = arith.addi %mul3A_131, %add3A_292 : vector<16xi32>
            tpu.vector_store_idx %arg7[%add3A_219, %add3A_294], %gather3A_293 : memref<64x128xf32, #tpu.memory_space<vmem>>[vector<16xi32>, vector<16xi32>], vector<16xf32>,
            %mul3A_295 = arith.constant 16 : i32
            %mul3A_296 = arith.muli %mul3A_295, %add3A_229 : i32
            %add3A_297 = vector.broadcast %mul3A_296 : i32 to vector<16xi32>
            %add3A_298 = arith.addi %and3A_94, %add3A_297 : vector<16xi32>
            %gather3A_299 = tpu.vector_load_idx %arg5[%add3A_298, %add3A_215] : memref<64x128xf32, #tpu.memory_space<vmem>>[vector<16xi32>, vector<16xi32>], vector<16xf32>,
            %add3A_300 = arith.addi %mul3A_131, %add3A_298 : vector<16xi32>
            tpu.vector_store_idx %arg7[%add3A_219, %add3A_300], %gather3A_299 : memref<64x128xf32, #tpu.memory_space<vmem>>[vector<16xi32>, vector<16xi32>], vector<16xf32>,
            %mul3A_301 = arith.constant 16 : i32
            %mul3A_302 = arith.muli %mul3A_301, %add3A_229 : i32
            %add3A_303 = vector.broadcast %mul3A_302 : i32 to vector<16xi32>
            %add3A_304 = arith.addi %and3A_100, %add3A_303 : vector<16xi32>
            %gather3A_305 = tpu.vector_load_idx %arg5[%add3A_304, %add3A_215] : memref<64x128xf32, #tpu.memory_space<vmem>>[vector<16xi32>, vector<16xi32>], vector<16xf32>,
            %add3A_306 = arith.addi %mul3A_131, %add3A_304 : vector<16xi32>
            tpu.vector_store_idx %arg7[%add3A_219, %add3A_306], %gather3A_305 : memref<64x128xf32, #tpu.memory_space<vmem>>[vector<16xi32>, vector<16xi32>], vector<16xf32>,
            %mul3A_307 = arith.constant 16 : i32
            %mul3A_308 = arith.muli %mul3A_307, %add3A_229 : i32
            %add3A_309 = vector.broadcast %mul3A_308 : i32 to vector<16xi32>
            %add3A_310 = arith.addi %and3A_106, %add3A_309 : vector<16xi32>
            %gather3A_311 = tpu.vector_load_idx %arg5[%add3A_310, %add3A_215] : memref<64x128xf32, #tpu.memory_space<vmem>>[vector<16xi32>, vector<16xi32>], vector<16xf32>,
            %add3A_312 = arith.addi %mul3A_131, %add3A_310 : vector<16xi32>
            tpu.vector_store_idx %arg7[%add3A_219, %add3A_312], %gather3A_311 : memref<64x128xf32, #tpu.memory_space<vmem>>[vector<16xi32>, vector<16xi32>], vector<16xf32>,
            %mul3A_313 = arith.constant 16 : i32
            %mul3A_314 = arith.muli %mul3A_313, %add3A_229 : i32
            %add3A_315 = vector.broadcast %mul3A_314 : i32 to vector<16xi32>
            %add3A_316 = arith.addi %and3A_112, %add3A_315 : vector<16xi32>
            %gather3A_317 = tpu.vector_load_idx %arg5[%add3A_316, %add3A_215] : memref<64x128xf32, #tpu.memory_space<vmem>>[vector<16xi32>, vector<16xi32>], vector<16xf32>,
            %add3A_318 = arith.addi %mul3A_131, %add3A_316 : vector<16xi32>
            tpu.vector_store_idx %arg7[%add3A_219, %add3A_318], %gather3A_317 : memref<64x128xf32, #tpu.memory_space<vmem>>[vector<16xi32>, vector<16xi32>], vector<16xf32>,
            %mul3A_319 = arith.constant 16 : i32
            %mul3A_320 = arith.muli %mul3A_319, %add3A_229 : i32
            %add3A_321 = vector.broadcast %mul3A_320 : i32 to vector<16xi32>
            %add3A_322 = arith.addi %and3A_118, %add3A_321 : vector<16xi32>
            %gather3A_323 = tpu.vector_load_idx %arg5[%add3A_322, %add3A_215] : memref<64x128xf32, #tpu.memory_space<vmem>>[vector<16xi32>, vector<16xi32>], vector<16xf32>,
            %add3A_324 = arith.addi %mul3A_131, %add3A_322 : vector<16xi32>
            tpu.vector_store_idx %arg7[%add3A_219, %add3A_324], %gather3A_323 : memref<64x128xf32, #tpu.memory_space<vmem>>[vector<16xi32>, vector<16xi32>], vector<16xf32>,
          }
          %scan3A_224 = arith.constant 4 : i32
        }
        %scan3A_198 = arith.constant 8 : i32
        %mul3A_199 = arith.constant 32 : i32
        %mul3A_200 = arith.muli %add3A_163, %mul3A_199 : i32
        %add3A_201 = arith.addi %add3A, %mul3A_200 : i32
        %mul3A_202 = arith.constant 64 : i32
        %mul3A_203 = arith.muli %add3A_201, %mul3A_202 : i32
        %dma_start3A = arith.constant 0 : i32
        %dma_start3A_204 = tpu.memref_slice %arg3[%mul3A_203, %dma_start3A] : memref<500032x128xf32, #tpu.memory_space<hbm>> -> memref<64x128xf32, #tpu.memory_space<hbm>>
        %dma_start3A_205 = arith.constant 0 : i32
        %dma_start3A_206 = tpu.memref_slice %arg3[%mul3A_203, %dma_start3A_205] : memref<500032x128xf32, #tpu.memory_space<hbm>> -> memref<64x128xf32, #tpu.memory_space<hbm>>
        tpu.enqueue_dma source(%arg7 : memref<64x128xf32, #tpu.memory_space<vmem>>) target(%dma_start3A_206 : memref<64x128xf32, #tpu.memory_space<hbm>>) target_semaphore(%arg11 : memref<!tpu.dma_semaphore, #tpu.memory_space<semaphore_mem>>)
      } else {
      }
    }
    %while3A_151 = arith.constant 1 : i32
    scf.for %while3A_161 = %while3A_149 to %while3A_145 step %while3A_151  : i32 {
      %mul3A_162 = arith.muli %while3A_161, %while3A : i32
      %add3A_163 = arith.addi %while3A_142, %mul3A_162 : i32
      %and3A_164 = arith.constant 1 : i32
      %and3A_165 = arith.andi %add3A_163, %and3A_164 : i32
      %eq3A = arith.constant 0 : i32
      %eq3A_166 = arith.cmpi eq, %and3A_165, %eq3A : i32
      %convert_element_type3A_167 = arith.extui %eq3A_166 : i1 to i32
      %cond3A_168 = arith.constant 0 : i32
      %cond3A_169 = arith.cmpi ne, %convert_element_type3A_167, %cond3A_168 : i32
      scf.if %cond3A_169 {
        %add3A_177 = arith.constant 1 : i32
        %add3A_178 = arith.addi %add3A_163, %add3A_177 : i32
        %lt3A = arith.cmpi slt, %add3A_178, %select_n3A : i32
        %convert_element_type3A_179 = arith.extui %lt3A : i1 to i32
        %cond3A_180 = arith.constant 0 : i32
        %cond3A_181 = arith.cmpi ne, %convert_element_type3A_179, %cond3A_180 : i32
        scf.if %cond3A_181 {
          %add3A_207 = arith.constant 1 : i32
          %add3A_208 = arith.addi %add3A_163, %add3A_207 : i32
          %mul3A_209 = arith.constant 32 : i32
          %mul3A_210 = arith.muli %add3A_208, %mul3A_209 : i32
          %add3A_211 = arith.addi %add3A, %mul3A_210 : i32
          %mul3A_212 = arith.constant 128 : i32
          %mul3A_213 = arith.muli %add3A_211, %mul3A_212 : i32
          %dma_start3A_214 = arith.constant 0 : i32
          %dma_start3A_215 = tpu.memref_slice %arg2[%dma_start3A_214, %mul3A_213] : memref<64x1000000xf32, #tpu.memory_space<hbm>> -> memref<64x128xf32, #tpu.memory_space<hbm>>
          %dma_start3A_216 = arith.constant 0 : i32
          %dma_start3A_217 = tpu.memref_slice %arg2[%dma_start3A_216, %mul3A_213] : memref<64x1000000xf32, #tpu.memory_space<hbm>> -> memref<64x128xf32, #tpu.memory_space<hbm>>
          tpu.enqueue_dma source(%dma_start3A_217 : memref<64x128xf32, #tpu.memory_space<hbm>>) target(%arg5 : memref<64x128xf32, #tpu.memory_space<vmem>>) target_semaphore(%arg9 : memref<!tpu.dma_semaphore, #tpu.memory_space<semaphore_mem>>)
        } else {
        }
        %mul3A_182 = arith.constant 32 : i32
        %mul3A_183 = arith.muli %add3A_163, %mul3A_182 : i32
        %add3A_184 = arith.addi %add3A, %mul3A_183 : i32
        %mul3A_185 = arith.constant 128 : i32
        %mul3A_186 = arith.muli %add3A_184, %mul3A_185 : i32
        %dma_wait3A = arith.constant 0 : i32
        %dma_wait3A_187 = tpu.memref_slice %arg2[%dma_wait3A, %mul3A_186] : memref<64x1000000xf32, #tpu.memory_space<hbm>> -> memref<64x128xf32, #tpu.memory_space<hbm>>
        %dma_wait3A_188 = arith.constant 0 : i32
        %dma_wait3A_189 = tpu.memref_slice %arg2[%dma_wait3A_188, %mul3A_186] : memref<64x1000000xf32, #tpu.memory_space<hbm>> -> memref<64x128xf32, #tpu.memory_space<hbm>>
        tpu.wait_dma2 semaphore(%arg8 : memref<!tpu.dma_semaphore, #tpu.memory_space<semaphore_mem>>) src(%dma_wait3A_189 : memref<64x128xf32, #tpu.memory_space<hbm>>) dst(%arg4 : memref<64x128xf32, #tpu.memory_space<vmem>>)
        %ge3A_190 = arith.constant 2 : i32
        %ge3A_191 = arith.cmpi sge, %add3A_163, %ge3A_190 : i32
        %convert_element_type3A_192 = arith.extui %ge3A_191 : i1 to i32
        %cond3A_193 = arith.constant 0 : i32
        %cond3A_194 = arith.cmpi ne, %convert_element_type3A_192, %cond3A_193 : i32
        scf.if %cond3A_194 {
          %add3A_207 = arith.constant 0 : i32
          %add3A_208 = arith.addi %add3A, %add3A_207 : i32
          %mul3A_209 = arith.constant 64 : i32
          %mul3A_210 = arith.muli %add3A_208, %mul3A_209 : i32
          %dma_wait3A_211 = arith.constant 0 : i32
          %dma_wait3A_212 = tpu.memref_slice %arg3[%mul3A_210, %dma_wait3A_211] : memref<500032x128xf32, #tpu.memory_space<hbm>> -> memref<64x128xf32, #tpu.memory_space<hbm>>
          %dma_wait3A_213 = arith.constant 0 : i32
          %dma_wait3A_214 = tpu.memref_slice %arg3[%mul3A_210, %dma_wait3A_213] : memref<500032x128xf32, #tpu.memory_space<hbm>> -> memref<64x128xf32, #tpu.memory_space<hbm>>
          tpu.wait_dma2 semaphore(%arg10 : memref<!tpu.dma_semaphore, #tpu.memory_space<semaphore_mem>>) src(%arg6 : memref<64x128xf32, #tpu.memory_space<vmem>>) dst(%dma_wait3A_214 : memref<64x128xf32, #tpu.memory_space<hbm>>)
        } else {
        }
        %scan3A = arith.constant 0 : i32
        %scan3A_195 = arith.constant 8 : i32
        %scan3A_196 = arith.addi %scan3A, %scan3A_195 : i32
        %scan3A_197 = arith.constant 1 : i32
        scf.for %scan3A_207 = %scan3A to %scan3A_196 step %scan3A_197  : i32 {
          %mul3A_208 = arith.constant 1 : i32
          %mul3A_209 = arith.muli %scan3A_207, %mul3A_208 : i32
          %add3A_210 = arith.constant 0 : i32
          %add3A_211 = arith.addi %add3A_210, %mul3A_209 : i32
          %mul3A_212 = arith.constant 16 : i32
          %mul3A_213 = arith.muli %mul3A_212, %add3A_211 : i32
          %add3A_214 = vector.broadcast %mul3A_213 : i32 to vector<16xi32>
          %add3A_215 = arith.addi %add3A_128, %add3A_214 : vector<16xi32>
          %mul3A_216 = arith.constant 8 : i32
          %mul3A_217 = arith.muli %mul3A_216, %add3A_211 : i32
          %add3A_218 = vector.broadcast %mul3A_217 : i32 to vector<16xi32>
          %add3A_219 = arith.addi %and3A_122, %add3A_218 : vector<16xi32>
          %scan3A_220 = arith.constant 0 : i32
          %scan3A_221 = arith.constant 4 : i32
          %scan3A_222 = arith.addi %scan3A_220, %scan3A_221 : i32
          %scan3A_223 = arith.constant 1 : i32
          scf.for %scan3A_225 = %scan3A_220 to %scan3A_222 step %scan3A_223  : i32 {
            %mul3A_226 = arith.constant 1 : i32
            %mul3A_227 = arith.muli %scan3A_225, %mul3A_226 : i32
            %add3A_228 = arith.constant 0 : i32
            %add3A_229 = arith.addi %add3A_228, %mul3A_227 : i32
            %mul3A_230 = arith.constant 16 : i32
            %mul3A_231 = arith.muli %mul3A_230, %add3A_229 : i32
            %add3A_232 = vector.broadcast %mul3A_231 : i32 to vector<16xi32>
            %add3A_233 = arith.addi %and3A_28, %add3A_232 : vector<16xi32>
            %gather3A = tpu.vector_load_idx %arg4[%add3A_233, %add3A_215] : memref<64x128xf32, #tpu.memory_space<vmem>>[vector<16xi32>, vector<16xi32>], vector<16xf32>,
            %add3A_234 = arith.addi %mul3A_131, %add3A_233 : vector<16xi32>
            tpu.vector_store_idx %arg6[%add3A_219, %add3A_234], %gather3A : memref<64x128xf32, #tpu.memory_space<vmem>>[vector<16xi32>, vector<16xi32>], vector<16xf32>,
            %mul3A_235 = arith.constant 16 : i32
            %mul3A_236 = arith.muli %mul3A_235, %add3A_229 : i32
            %add3A_237 = vector.broadcast %mul3A_236 : i32 to vector<16xi32>
            %add3A_238 = arith.addi %and3A_34, %add3A_237 : vector<16xi32>
            %gather3A_239 = tpu.vector_load_idx %arg4[%add3A_238, %add3A_215] : memref<64x128xf32, #tpu.memory_space<vmem>>[vector<16xi32>, vector<16xi32>], vector<16xf32>,
            %add3A_240 = arith.addi %mul3A_131, %add3A_238 : vector<16xi32>
            tpu.vector_store_idx %arg6[%add3A_219, %add3A_240], %gather3A_239 : memref<64x128xf32, #tpu.memory_space<vmem>>[vector<16xi32>, vector<16xi32>], vector<16xf32>,
            %mul3A_241 = arith.constant 16 : i32
            %mul3A_242 = arith.muli %mul3A_241, %add3A_229 : i32
            %add3A_243 = vector.broadcast %mul3A_242 : i32 to vector<16xi32>
            %add3A_244 = arith.addi %and3A_40, %add3A_243 : vector<16xi32>
            %gather3A_245 = tpu.vector_load_idx %arg4[%add3A_244, %add3A_215] : memref<64x128xf32, #tpu.memory_space<vmem>>[vector<16xi32>, vector<16xi32>], vector<16xf32>,
            %add3A_246 = arith.addi %mul3A_131, %add3A_244 : vector<16xi32>
            tpu.vector_store_idx %arg6[%add3A_219, %add3A_246], %gather3A_245 : memref<64x128xf32, #tpu.memory_space<vmem>>[vector<16xi32>, vector<16xi32>], vector<16xf32>,
            %mul3A_247 = arith.constant 16 : i32
            %mul3A_248 = arith.muli %mul3A_247, %add3A_229 : i32
            %add3A_249 = vector.broadcast %mul3A_248 : i32 to vector<16xi32>
            %add3A_250 = arith.addi %and3A_46, %add3A_249 : vector<16xi32>
            %gather3A_251 = tpu.vector_load_idx %arg4[%add3A_250, %add3A_215] : memref<64x128xf32, #tpu.memory_space<vmem>>[vector<16xi32>, vector<16xi32>], vector<16xf32>,
            %add3A_252 = arith.addi %mul3A_131, %add3A_250 : vector<16xi32>
            tpu.vector_store_idx %arg6[%add3A_219, %add3A_252], %gather3A_251 : memref<64x128xf32, #tpu.memory_space<vmem>>[vector<16xi32>, vector<16xi32>], vector<16xf32>,
            %mul3A_253 = arith.constant 16 : i32
            %mul3A_254 = arith.muli %mul3A_253, %add3A_229 : i32
            %add3A_255 = vector.broadcast %mul3A_254 : i32 to vector<16xi32>
            %add3A_256 = arith.addi %and3A_52, %add3A_255 : vector<16xi32>
            %gather3A_257 = tpu.vector_load_idx %arg4[%add3A_256, %add3A_215] : memref<64x128xf32, #tpu.memory_space<vmem>>[vector<16xi32>, vector<16xi32>], vector<16xf32>,
            %add3A_258 = arith.addi %mul3A_131, %add3A_256 : vector<16xi32>
            tpu.vector_store_idx %arg6[%add3A_219, %add3A_258], %gather3A_257 : memref<64x128xf32, #tpu.memory_space<vmem>>[vector<16xi32>, vector<16xi32>], vector<16xf32>,
            %mul3A_259 = arith.constant 16 : i32
            %mul3A_260 = arith.muli %mul3A_259, %add3A_229 : i32
            %add3A_261 = vector.broadcast %mul3A_260 : i32 to vector<16xi32>
            %add3A_262 = arith.addi %and3A_58, %add3A_261 : vector<16xi32>
            %gather3A_263 = tpu.vector_load_idx %arg4[%add3A_262, %add3A_215] : memref<64x128xf32, #tpu.memory_space<vmem>>[vector<16xi32>, vector<16xi32>], vector<16xf32>,
            %add3A_264 = arith.addi %mul3A_131, %add3A_262 : vector<16xi32>
            tpu.vector_store_idx %arg6[%add3A_219, %add3A_264], %gather3A_263 : memref<64x128xf32, #tpu.memory_space<vmem>>[vector<16xi32>, vector<16xi32>], vector<16xf32>,
            %mul3A_265 = arith.constant 16 : i32
            %mul3A_266 = arith.muli %mul3A_265, %add3A_229 : i32
            %add3A_267 = vector.broadcast %mul3A_266 : i32 to vector<16xi32>
            %add3A_268 = arith.addi %and3A_64, %add3A_267 : vector<16xi32>
            %gather3A_269 = tpu.vector_load_idx %arg4[%add3A_268, %add3A_215] : memref<64x128xf32, #tpu.memory_space<vmem>>[vector<16xi32>, vector<16xi32>], vector<16xf32>,
            %add3A_270 = arith.addi %mul3A_131, %add3A_268 : vector<16xi32>
            tpu.vector_store_idx %arg6[%add3A_219, %add3A_270], %gather3A_269 : memref<64x128xf32, #tpu.memory_space<vmem>>[vector<16xi32>, vector<16xi32>], vector<16xf32>,
            %mul3A_271 = arith.constant 16 : i32
            %mul3A_272 = arith.muli %mul3A_271, %add3A_229 : i32
            %add3A_273 = vector.broadcast %mul3A_272 : i32 to vector<16xi32>
            %add3A_274 = arith.addi %and3A_70, %add3A_273 : vector<16xi32>
            %gather3A_275 = tpu.vector_load_idx %arg4[%add3A_274, %add3A_215] : memref<64x128xf32, #tpu.memory_space<vmem>>[vector<16xi32>, vector<16xi32>], vector<16xf32>,
            %add3A_276 = arith.addi %mul3A_131, %add3A_274 : vector<16xi32>
            tpu.vector_store_idx %arg6[%add3A_219, %add3A_276], %gather3A_275 : memref<64x128xf32, #tpu.memory_space<vmem>>[vector<16xi32>, vector<16xi32>], vector<16xf32>,
            %mul3A_277 = arith.constant 16 : i32
            %mul3A_278 = arith.muli %mul3A_277, %add3A_229 : i32
            %add3A_279 = vector.broadcast %mul3A_278 : i32 to vector<16xi32>
            %add3A_280 = arith.addi %and3A_76, %add3A_279 : vector<16xi32>
            %gather3A_281 = tpu.vector_load_idx %arg4[%add3A_280, %add3A_215] : memref<64x128xf32, #tpu.memory_space<vmem>>[vector<16xi32>, vector<16xi32>], vector<16xf32>,
            %add3A_282 = arith.addi %mul3A_131, %add3A_280 : vector<16xi32>
            tpu.vector_store_idx %arg6[%add3A_219, %add3A_282], %gather3A_281 : memref<64x128xf32, #tpu.memory_space<vmem>>[vector<16xi32>, vector<16xi32>], vector<16xf32>,
            %mul3A_283 = arith.constant 16 : i32
            %mul3A_284 = arith.muli %mul3A_283, %add3A_229 : i32
            %add3A_285 = vector.broadcast %mul3A_284 : i32 to vector<16xi32>
            %add3A_286 = arith.addi %and3A_82, %add3A_285 : vector<16xi32>
            %gather3A_287 = tpu.vector_load_idx %arg4[%add3A_286, %add3A_215] : memref<64x128xf32, #tpu.memory_space<vmem>>[vector<16xi32>, vector<16xi32>], vector<16xf32>,
            %add3A_288 = arith.addi %mul3A_131, %add3A_286 : vector<16xi32>
            tpu.vector_store_idx %arg6[%add3A_219, %add3A_288], %gather3A_287 : memref<64x128xf32, #tpu.memory_space<vmem>>[vector<16xi32>, vector<16xi32>], vector<16xf32>,
            %mul3A_289 = arith.constant 16 : i32
            %mul3A_290 = arith.muli %mul3A_289, %add3A_229 : i32
            %add3A_291 = vector.broadcast %mul3A_290 : i32 to vector<16xi32>
            %add3A_292 = arith.addi %and3A_88, %add3A_291 : vector<16xi32>
            %gather3A_293 = tpu.vector_load_idx %arg4[%add3A_292, %add3A_215] : memref<64x128xf32, #tpu.memory_space<vmem>>[vector<16xi32>, vector<16xi32>], vector<16xf32>,
            %add3A_294 = arith.addi %mul3A_131, %add3A_292 : vector<16xi32>
            tpu.vector_store_idx %arg6[%add3A_219, %add3A_294], %gather3A_293 : memref<64x128xf32, #tpu.memory_space<vmem>>[vector<16xi32>, vector<16xi32>], vector<16xf32>,
            %mul3A_295 = arith.constant 16 : i32
            %mul3A_296 = arith.muli %mul3A_295, %add3A_229 : i32
            %add3A_297 = vector.broadcast %mul3A_296 : i32 to vector<16xi32>
            %add3A_298 = arith.addi %and3A_94, %add3A_297 : vector<16xi32>
            %gather3A_299 = tpu.vector_load_idx %arg4[%add3A_298, %add3A_215] : memref<64x128xf32, #tpu.memory_space<vmem>>[vector<16xi32>, vector<16xi32>], vector<16xf32>,
            %add3A_300 = arith.addi %mul3A_131, %add3A_298 : vector<16xi32>
            tpu.vector_store_idx %arg6[%add3A_219, %add3A_300], %gather3A_299 : memref<64x128xf32, #tpu.memory_space<vmem>>[vector<16xi32>, vector<16xi32>], vector<16xf32>,
            %mul3A_301 = arith.constant 16 : i32
            %mul3A_302 = arith.muli %mul3A_301, %add3A_229 : i32
            %add3A_303 = vector.broadcast %mul3A_302 : i32 to vector<16xi32>
            %add3A_304 = arith.addi %and3A_100, %add3A_303 : vector<16xi32>
            %gather3A_305 = tpu.vector_load_idx %arg4[%add3A_304, %add3A_215] : memref<64x128xf32, #tpu.memory_space<vmem>>[vector<16xi32>, vector<16xi32>], vector<16xf32>,
            %add3A_306 = arith.addi %mul3A_131, %add3A_304 : vector<16xi32>
            tpu.vector_store_idx %arg6[%add3A_219, %add3A_306], %gather3A_305 : memref<64x128xf32, #tpu.memory_space<vmem>>[vector<16xi32>, vector<16xi32>], vector<16xf32>,
            %mul3A_307 = arith.constant 16 : i32
            %mul3A_308 = arith.muli %mul3A_307, %add3A_229 : i32
            %add3A_309 = vector.broadcast %mul3A_308 : i32 to vector<16xi32>
            %add3A_310 = arith.addi %and3A_106, %add3A_309 : vector<16xi32>
            %gather3A_311 = tpu.vector_load_idx %arg4[%add3A_310, %add3A_215] : memref<64x128xf32, #tpu.memory_space<vmem>>[vector<16xi32>, vector<16xi32>], vector<16xf32>,
            %add3A_312 = arith.addi %mul3A_131, %add3A_310 : vector<16xi32>
            tpu.vector_store_idx %arg6[%add3A_219, %add3A_312], %gather3A_311 : memref<64x128xf32, #tpu.memory_space<vmem>>[vector<16xi32>, vector<16xi32>], vector<16xf32>,
            %mul3A_313 = arith.constant 16 : i32
            %mul3A_314 = arith.muli %mul3A_313, %add3A_229 : i32
            %add3A_315 = vector.broadcast %mul3A_314 : i32 to vector<16xi32>
            %add3A_316 = arith.addi %and3A_112, %add3A_315 : vector<16xi32>
            %gather3A_317 = tpu.vector_load_idx %arg4[%add3A_316, %add3A_215] : memref<64x128xf32, #tpu.memory_space<vmem>>[vector<16xi32>, vector<16xi32>], vector<16xf32>,
            %add3A_318 = arith.addi %mul3A_131, %add3A_316 : vector<16xi32>
            tpu.vector_store_idx %arg6[%add3A_219, %add3A_318], %gather3A_317 : memref<64x128xf32, #tpu.memory_space<vmem>>[vector<16xi32>, vector<16xi32>], vector<16xf32>,
            %mul3A_319 = arith.constant 16 : i32
            %mul3A_320 = arith.muli %mul3A_319, %add3A_229 : i32
            %add3A_321 = vector.broadcast %mul3A_320 : i32 to vector<16xi32>
            %add3A_322 = arith.addi %and3A_118, %add3A_321 : vector<16xi32>
            %gather3A_323 = tpu.vector_load_idx %arg4[%add3A_322, %add3A_215] : memref<64x128xf32, #tpu.memory_space<vmem>>[vector<16xi32>, vector<16xi32>], vector<16xf32>,
            %add3A_324 = arith.addi %mul3A_131, %add3A_322 : vector<16xi32>
            tpu.vector_store_idx %arg6[%add3A_219, %add3A_324], %gather3A_323 : memref<64x128xf32, #tpu.memory_space<vmem>>[vector<16xi32>, vector<16xi32>], vector<16xf32>,
          }
          %scan3A_224 = arith.constant 4 : i32
        }
        %scan3A_198 = arith.constant 8 : i32
        %mul3A_199 = arith.constant 32 : i32
        %mul3A_200 = arith.muli %add3A_163, %mul3A_199 : i32
        %add3A_201 = arith.addi %add3A, %mul3A_200 : i32
        %mul3A_202 = arith.constant 64 : i32
        %mul3A_203 = arith.muli %add3A_201, %mul3A_202 : i32
        %dma_start3A = arith.constant 0 : i32
        %dma_start3A_204 = tpu.memref_slice %arg3[%mul3A_203, %dma_start3A] : memref<500032x128xf32, #tpu.memory_space<hbm>> -> memref<64x128xf32, #tpu.memory_space<hbm>>
        %dma_start3A_205 = arith.constant 0 : i32
        %dma_start3A_206 = tpu.memref_slice %arg3[%mul3A_203, %dma_start3A_205] : memref<500032x128xf32, #tpu.memory_space<hbm>> -> memref<64x128xf32, #tpu.memory_space<hbm>>
        tpu.enqueue_dma source(%arg6 : memref<64x128xf32, #tpu.memory_space<vmem>>) target(%dma_start3A_206 : memref<64x128xf32, #tpu.memory_space<hbm>>) target_semaphore(%arg10 : memref<!tpu.dma_semaphore, #tpu.memory_space<semaphore_mem>>)
      } else {
      }
      %and3A_170 = arith.constant 1 : i32
      %and3A_171 = arith.andi %add3A_163, %and3A_170 : i32
      %eq3A_172 = arith.constant 1 : i32
      %eq3A_173 = arith.cmpi eq, %and3A_171, %eq3A_172 : i32
      %convert_element_type3A_174 = arith.extui %eq3A_173 : i1 to i32
      %cond3A_175 = arith.constant 0 : i32
      %cond3A_176 = arith.cmpi ne, %convert_element_type3A_174, %cond3A_175 : i32
      scf.if %cond3A_176 {
        %add3A_177 = arith.constant 1 : i32
        %add3A_178 = arith.addi %add3A_163, %add3A_177 : i32
        %lt3A = arith.cmpi slt, %add3A_178, %select_n3A : i32
        %convert_element_type3A_179 = arith.extui %lt3A : i1 to i32
        %cond3A_180 = arith.constant 0 : i32
        %cond3A_181 = arith.cmpi ne, %convert_element_type3A_179, %cond3A_180 : i32
        scf.if %cond3A_181 {
          %add3A_207 = arith.constant 1 : i32
          %add3A_208 = arith.addi %add3A_163, %add3A_207 : i32
          %mul3A_209 = arith.constant 32 : i32
          %mul3A_210 = arith.muli %add3A_208, %mul3A_209 : i32
          %add3A_211 = arith.addi %add3A, %mul3A_210 : i32
          %mul3A_212 = arith.constant 128 : i32
          %mul3A_213 = arith.muli %add3A_211, %mul3A_212 : i32
          %dma_start3A_214 = arith.constant 0 : i32
          %dma_start3A_215 = tpu.memref_slice %arg2[%dma_start3A_214, %mul3A_213] : memref<64x1000000xf32, #tpu.memory_space<hbm>> -> memref<64x128xf32, #tpu.memory_space<hbm>>
          %dma_start3A_216 = arith.constant 0 : i32
          %dma_start3A_217 = tpu.memref_slice %arg2[%dma_start3A_216, %mul3A_213] : memref<64x1000000xf32, #tpu.memory_space<hbm>> -> memref<64x128xf32, #tpu.memory_space<hbm>>
          tpu.enqueue_dma source(%dma_start3A_217 : memref<64x128xf32, #tpu.memory_space<hbm>>) target(%arg4 : memref<64x128xf32, #tpu.memory_space<vmem>>) target_semaphore(%arg8 : memref<!tpu.dma_semaphore, #tpu.memory_space<semaphore_mem>>)
        } else {
        }
        %mul3A_182 = arith.constant 32 : i32
        %mul3A_183 = arith.muli %add3A_163, %mul3A_182 : i32
        %add3A_184 = arith.addi %add3A, %mul3A_183 : i32
        %mul3A_185 = arith.constant 128 : i32
        %mul3A_186 = arith.muli %add3A_184, %mul3A_185 : i32
        %dma_wait3A = arith.constant 0 : i32
        %dma_wait3A_187 = tpu.memref_slice %arg2[%dma_wait3A, %mul3A_186] : memref<64x1000000xf32, #tpu.memory_space<hbm>> -> memref<64x128xf32, #tpu.memory_space<hbm>>
        %dma_wait3A_188 = arith.constant 0 : i32
        %dma_wait3A_189 = tpu.memref_slice %arg2[%dma_wait3A_188, %mul3A_186] : memref<64x1000000xf32, #tpu.memory_space<hbm>> -> memref<64x128xf32, #tpu.memory_space<hbm>>
        tpu.wait_dma2 semaphore(%arg9 : memref<!tpu.dma_semaphore, #tpu.memory_space<semaphore_mem>>) src(%dma_wait3A_189 : memref<64x128xf32, #tpu.memory_space<hbm>>) dst(%arg5 : memref<64x128xf32, #tpu.memory_space<vmem>>)
        %ge3A_190 = arith.constant 2 : i32
        %ge3A_191 = arith.cmpi sge, %add3A_163, %ge3A_190 : i32
        %convert_element_type3A_192 = arith.extui %ge3A_191 : i1 to i32
        %cond3A_193 = arith.constant 0 : i32
        %cond3A_194 = arith.cmpi ne, %convert_element_type3A_192, %cond3A_193 : i32
        scf.if %cond3A_194 {
          %add3A_207 = arith.constant 0 : i32
          %add3A_208 = arith.addi %add3A, %add3A_207 : i32
          %mul3A_209 = arith.constant 64 : i32
          %mul3A_210 = arith.muli %add3A_208, %mul3A_209 : i32
          %dma_wait3A_211 = arith.constant 0 : i32
          %dma_wait3A_212 = tpu.memref_slice %arg3[%mul3A_210, %dma_wait3A_211] : memref<500032x128xf32, #tpu.memory_space<hbm>> -> memref<64x128xf32, #tpu.memory_space<hbm>>
          %dma_wait3A_213 = arith.constant 0 : i32
          %dma_wait3A_214 = tpu.memref_slice %arg3[%mul3A_210, %dma_wait3A_213] : memref<500032x128xf32, #tpu.memory_space<hbm>> -> memref<64x128xf32, #tpu.memory_space<hbm>>
          tpu.wait_dma2 semaphore(%arg11 : memref<!tpu.dma_semaphore, #tpu.memory_space<semaphore_mem>>) src(%arg7 : memref<64x128xf32, #tpu.memory_space<vmem>>) dst(%dma_wait3A_214 : memref<64x128xf32, #tpu.memory_space<hbm>>)
        } else {
        }
        %scan3A = arith.constant 0 : i32
        %scan3A_195 = arith.constant 8 : i32
        %scan3A_196 = arith.addi %scan3A, %scan3A_195 : i32
        %scan3A_197 = arith.constant 1 : i32
        scf.for %scan3A_207 = %scan3A to %scan3A_196 step %scan3A_197  : i32 {
          %mul3A_208 = arith.constant 1 : i32
          %mul3A_209 = arith.muli %scan3A_207, %mul3A_208 : i32
          %add3A_210 = arith.constant 0 : i32
          %add3A_211 = arith.addi %add3A_210, %mul3A_209 : i32
          %mul3A_212 = arith.constant 16 : i32
          %mul3A_213 = arith.muli %mul3A_212, %add3A_211 : i32
          %add3A_214 = vector.broadcast %mul3A_213 : i32 to vector<16xi32>
          %add3A_215 = arith.addi %add3A_128, %add3A_214 : vector<16xi32>
          %mul3A_216 = arith.constant 8 : i32
          %mul3A_217 = arith.muli %mul3A_216, %add3A_211 : i32
          %add3A_218 = vector.broadcast %mul3A_217 : i32 to vector<16xi32>
          %add3A_219 = arith.addi %and3A_122, %add3A_218 : vector<16xi32>
          %scan3A_220 = arith.constant 0 : i32
          %scan3A_221 = arith.constant 4 : i32
          %scan3A_222 = arith.addi %scan3A_220, %scan3A_221 : i32
          %scan3A_223 = arith.constant 1 : i32
          scf.for %scan3A_225 = %scan3A_220 to %scan3A_222 step %scan3A_223  : i32 {
            %mul3A_226 = arith.constant 1 : i32
            %mul3A_227 = arith.muli %scan3A_225, %mul3A_226 : i32
            %add3A_228 = arith.constant 0 : i32
            %add3A_229 = arith.addi %add3A_228, %mul3A_227 : i32
            %mul3A_230 = arith.constant 16 : i32
            %mul3A_231 = arith.muli %mul3A_230, %add3A_229 : i32
            %add3A_232 = vector.broadcast %mul3A_231 : i32 to vector<16xi32>
            %add3A_233 = arith.addi %and3A_28, %add3A_232 : vector<16xi32>
            %gather3A = tpu.vector_load_idx %arg5[%add3A_233, %add3A_215] : memref<64x128xf32, #tpu.memory_space<vmem>>[vector<16xi32>, vector<16xi32>], vector<16xf32>,
            %add3A_234 = arith.addi %mul3A_131, %add3A_233 : vector<16xi32>
            tpu.vector_store_idx %arg7[%add3A_219, %add3A_234], %gather3A : memref<64x128xf32, #tpu.memory_space<vmem>>[vector<16xi32>, vector<16xi32>], vector<16xf32>,
            %mul3A_235 = arith.constant 16 : i32
            %mul3A_236 = arith.muli %mul3A_235, %add3A_229 : i32
            %add3A_237 = vector.broadcast %mul3A_236 : i32 to vector<16xi32>
            %add3A_238 = arith.addi %and3A_34, %add3A_237 : vector<16xi32>
            %gather3A_239 = tpu.vector_load_idx %arg5[%add3A_238, %add3A_215] : memref<64x128xf32, #tpu.memory_space<vmem>>[vector<16xi32>, vector<16xi32>], vector<16xf32>,
            %add3A_240 = arith.addi %mul3A_131, %add3A_238 : vector<16xi32>
            tpu.vector_store_idx %arg7[%add3A_219, %add3A_240], %gather3A_239 : memref<64x128xf32, #tpu.memory_space<vmem>>[vector<16xi32>, vector<16xi32>], vector<16xf32>,
            %mul3A_241 = arith.constant 16 : i32
            %mul3A_242 = arith.muli %mul3A_241, %add3A_229 : i32
            %add3A_243 = vector.broadcast %mul3A_242 : i32 to vector<16xi32>
            %add3A_244 = arith.addi %and3A_40, %add3A_243 : vector<16xi32>
            %gather3A_245 = tpu.vector_load_idx %arg5[%add3A_244, %add3A_215] : memref<64x128xf32, #tpu.memory_space<vmem>>[vector<16xi32>, vector<16xi32>], vector<16xf32>,
            %add3A_246 = arith.addi %mul3A_131, %add3A_244 : vector<16xi32>
            tpu.vector_store_idx %arg7[%add3A_219, %add3A_246], %gather3A_245 : memref<64x128xf32, #tpu.memory_space<vmem>>[vector<16xi32>, vector<16xi32>], vector<16xf32>,
            %mul3A_247 = arith.constant 16 : i32
            %mul3A_248 = arith.muli %mul3A_247, %add3A_229 : i32
            %add3A_249 = vector.broadcast %mul3A_248 : i32 to vector<16xi32>
            %add3A_250 = arith.addi %and3A_46, %add3A_249 : vector<16xi32>
            %gather3A_251 = tpu.vector_load_idx %arg5[%add3A_250, %add3A_215] : memref<64x128xf32, #tpu.memory_space<vmem>>[vector<16xi32>, vector<16xi32>], vector<16xf32>,
            %add3A_252 = arith.addi %mul3A_131, %add3A_250 : vector<16xi32>
            tpu.vector_store_idx %arg7[%add3A_219, %add3A_252], %gather3A_251 : memref<64x128xf32, #tpu.memory_space<vmem>>[vector<16xi32>, vector<16xi32>], vector<16xf32>,
            %mul3A_253 = arith.constant 16 : i32
            %mul3A_254 = arith.muli %mul3A_253, %add3A_229 : i32
            %add3A_255 = vector.broadcast %mul3A_254 : i32 to vector<16xi32>
            %add3A_256 = arith.addi %and3A_52, %add3A_255 : vector<16xi32>
            %gather3A_257 = tpu.vector_load_idx %arg5[%add3A_256, %add3A_215] : memref<64x128xf32, #tpu.memory_space<vmem>>[vector<16xi32>, vector<16xi32>], vector<16xf32>,
            %add3A_258 = arith.addi %mul3A_131, %add3A_256 : vector<16xi32>
            tpu.vector_store_idx %arg7[%add3A_219, %add3A_258], %gather3A_257 : memref<64x128xf32, #tpu.memory_space<vmem>>[vector<16xi32>, vector<16xi32>], vector<16xf32>,
            %mul3A_259 = arith.constant 16 : i32
            %mul3A_260 = arith.muli %mul3A_259, %add3A_229 : i32
            %add3A_261 = vector.broadcast %mul3A_260 : i32 to vector<16xi32>
            %add3A_262 = arith.addi %and3A_58, %add3A_261 : vector<16xi32>
            %gather3A_263 = tpu.vector_load_idx %arg5[%add3A_262, %add3A_215] : memref<64x128xf32, #tpu.memory_space<vmem>>[vector<16xi32>, vector<16xi32>], vector<16xf32>,
            %add3A_264 = arith.addi %mul3A_131, %add3A_262 : vector<16xi32>
            tpu.vector_store_idx %arg7[%add3A_219, %add3A_264], %gather3A_263 : memref<64x128xf32, #tpu.memory_space<vmem>>[vector<16xi32>, vector<16xi32>], vector<16xf32>,
            %mul3A_265 = arith.constant 16 : i32
            %mul3A_266 = arith.muli %mul3A_265, %add3A_229 : i32
            %add3A_267 = vector.broadcast %mul3A_266 : i32 to vector<16xi32>
            %add3A_268 = arith.addi %and3A_64, %add3A_267 : vector<16xi32>
            %gather3A_269 = tpu.vector_load_idx %arg5[%add3A_268, %add3A_215] : memref<64x128xf32, #tpu.memory_space<vmem>>[vector<16xi32>, vector<16xi32>], vector<16xf32>,
            %add3A_270 = arith.addi %mul3A_131, %add3A_268 : vector<16xi32>
            tpu.vector_store_idx %arg7[%add3A_219, %add3A_270], %gather3A_269 : memref<64x128xf32, #tpu.memory_space<vmem>>[vector<16xi32>, vector<16xi32>], vector<16xf32>,
            %mul3A_271 = arith.constant 16 : i32
            %mul3A_272 = arith.muli %mul3A_271, %add3A_229 : i32
            %add3A_273 = vector.broadcast %mul3A_272 : i32 to vector<16xi32>
            %add3A_274 = arith.addi %and3A_70, %add3A_273 : vector<16xi32>
            %gather3A_275 = tpu.vector_load_idx %arg5[%add3A_274, %add3A_215] : memref<64x128xf32, #tpu.memory_space<vmem>>[vector<16xi32>, vector<16xi32>], vector<16xf32>,
            %add3A_276 = arith.addi %mul3A_131, %add3A_274 : vector<16xi32>
            tpu.vector_store_idx %arg7[%add3A_219, %add3A_276], %gather3A_275 : memref<64x128xf32, #tpu.memory_space<vmem>>[vector<16xi32>, vector<16xi32>], vector<16xf32>,
            %mul3A_277 = arith.constant 16 : i32
            %mul3A_278 = arith.muli %mul3A_277, %add3A_229 : i32
            %add3A_279 = vector.broadcast %mul3A_278 : i32 to vector<16xi32>
            %add3A_280 = arith.addi %and3A_76, %add3A_279 : vector<16xi32>
            %gather3A_281 = tpu.vector_load_idx %arg5[%add3A_280, %add3A_215] : memref<64x128xf32, #tpu.memory_space<vmem>>[vector<16xi32>, vector<16xi32>], vector<16xf32>,
            %add3A_282 = arith.addi %mul3A_131, %add3A_280 : vector<16xi32>
            tpu.vector_store_idx %arg7[%add3A_219, %add3A_282], %gather3A_281 : memref<64x128xf32, #tpu.memory_space<vmem>>[vector<16xi32>, vector<16xi32>], vector<16xf32>,
            %mul3A_283 = arith.constant 16 : i32
            %mul3A_284 = arith.muli %mul3A_283, %add3A_229 : i32
            %add3A_285 = vector.broadcast %mul3A_284 : i32 to vector<16xi32>
            %add3A_286 = arith.addi %and3A_82, %add3A_285 : vector<16xi32>
            %gather3A_287 = tpu.vector_load_idx %arg5[%add3A_286, %add3A_215] : memref<64x128xf32, #tpu.memory_space<vmem>>[vector<16xi32>, vector<16xi32>], vector<16xf32>,
            %add3A_288 = arith.addi %mul3A_131, %add3A_286 : vector<16xi32>
            tpu.vector_store_idx %arg7[%add3A_219, %add3A_288], %gather3A_287 : memref<64x128xf32, #tpu.memory_space<vmem>>[vector<16xi32>, vector<16xi32>], vector<16xf32>,
            %mul3A_289 = arith.constant 16 : i32
            %mul3A_290 = arith.muli %mul3A_289, %add3A_229 : i32
            %add3A_291 = vector.broadcast %mul3A_290 : i32 to vector<16xi32>
            %add3A_292 = arith.addi %and3A_88, %add3A_291 : vector<16xi32>
            %gather3A_293 = tpu.vector_load_idx %arg5[%add3A_292, %add3A_215] : memref<64x128xf32, #tpu.memory_space<vmem>>[vector<16xi32>, vector<16xi32>], vector<16xf32>,
            %add3A_294 = arith.addi %mul3A_131, %add3A_292 : vector<16xi32>
            tpu.vector_store_idx %arg7[%add3A_219, %add3A_294], %gather3A_293 : memref<64x128xf32, #tpu.memory_space<vmem>>[vector<16xi32>, vector<16xi32>], vector<16xf32>,
            %mul3A_295 = arith.constant 16 : i32
            %mul3A_296 = arith.muli %mul3A_295, %add3A_229 : i32
            %add3A_297 = vector.broadcast %mul3A_296 : i32 to vector<16xi32>
            %add3A_298 = arith.addi %and3A_94, %add3A_297 : vector<16xi32>
            %gather3A_299 = tpu.vector_load_idx %arg5[%add3A_298, %add3A_215] : memref<64x128xf32, #tpu.memory_space<vmem>>[vector<16xi32>, vector<16xi32>], vector<16xf32>,
            %add3A_300 = arith.addi %mul3A_131, %add3A_298 : vector<16xi32>
            tpu.vector_store_idx %arg7[%add3A_219, %add3A_300], %gather3A_299 : memref<64x128xf32, #tpu.memory_space<vmem>>[vector<16xi32>, vector<16xi32>], vector<16xf32>,
            %mul3A_301 = arith.constant 16 : i32
            %mul3A_302 = arith.muli %mul3A_301, %add3A_229 : i32
            %add3A_303 = vector.broadcast %mul3A_302 : i32 to vector<16xi32>
            %add3A_304 = arith.addi %and3A_100, %add3A_303 : vector<16xi32>
            %gather3A_305 = tpu.vector_load_idx %arg5[%add3A_304, %add3A_215] : memref<64x128xf32, #tpu.memory_space<vmem>>[vector<16xi32>, vector<16xi32>], vector<16xf32>,
            %add3A_306 = arith.addi %mul3A_131, %add3A_304 : vector<16xi32>
            tpu.vector_store_idx %arg7[%add3A_219, %add3A_306], %gather3A_305 : memref<64x128xf32, #tpu.memory_space<vmem>>[vector<16xi32>, vector<16xi32>], vector<16xf32>,
            %mul3A_307 = arith.constant 16 : i32
            %mul3A_308 = arith.muli %mul3A_307, %add3A_229 : i32
            %add3A_309 = vector.broadcast %mul3A_308 : i32 to vector<16xi32>
            %add3A_310 = arith.addi %and3A_106, %add3A_309 : vector<16xi32>
            %gather3A_311 = tpu.vector_load_idx %arg5[%add3A_310, %add3A_215] : memref<64x128xf32, #tpu.memory_space<vmem>>[vector<16xi32>, vector<16xi32>], vector<16xf32>,
            %add3A_312 = arith.addi %mul3A_131, %add3A_310 : vector<16xi32>
            tpu.vector_store_idx %arg7[%add3A_219, %add3A_312], %gather3A_311 : memref<64x128xf32, #tpu.memory_space<vmem>>[vector<16xi32>, vector<16xi32>], vector<16xf32>,
            %mul3A_313 = arith.constant 16 : i32
            %mul3A_314 = arith.muli %mul3A_313, %add3A_229 : i32
            %add3A_315 = vector.broadcast %mul3A_314 : i32 to vector<16xi32>
            %add3A_316 = arith.addi %and3A_112, %add3A_315 : vector<16xi32>
            %gather3A_317 = tpu.vector_load_idx %arg5[%add3A_316, %add3A_215] : memref<64x128xf32, #tpu.memory_space<vmem>>[vector<16xi32>, vector<16xi32>], vector<16xf32>,
            %add3A_318 = arith.addi %mul3A_131, %add3A_316 : vector<16xi32>
            tpu.vector_store_idx %arg7[%add3A_219, %add3A_318], %gather3A_317 : memref<64x128xf32, #tpu.memory_space<vmem>>[vector<16xi32>, vector<16xi32>], vector<16xf32>,
            %mul3A_319 = arith.constant 16 : i32
            %mul3A_320 = arith.muli %mul3A_319, %add3A_229 : i32
            %add3A_321 = vector.broadcast %mul3A_320 : i32 to vector<16xi32>
            %add3A_322 = arith.addi %and3A_118, %add3A_321 : vector<16xi32>
            %gather3A_323 = tpu.vector_load_idx %arg5[%add3A_322, %add3A_215] : memref<64x128xf32, #tpu.memory_space<vmem>>[vector<16xi32>, vector<16xi32>], vector<16xf32>,
            %add3A_324 = arith.addi %mul3A_131, %add3A_322 : vector<16xi32>
            tpu.vector_store_idx %arg7[%add3A_219, %add3A_324], %gather3A_323 : memref<64x128xf32, #tpu.memory_space<vmem>>[vector<16xi32>, vector<16xi32>], vector<16xf32>,
          }
          %scan3A_224 = arith.constant 4 : i32
        }
        %scan3A_198 = arith.constant 8 : i32
        %mul3A_199 = arith.constant 32 : i32
        %mul3A_200 = arith.muli %add3A_163, %mul3A_199 : i32
        %add3A_201 = arith.addi %add3A, %mul3A_200 : i32
        %mul3A_202 = arith.constant 64 : i32
        %mul3A_203 = arith.muli %add3A_201, %mul3A_202 : i32
        %dma_start3A = arith.constant 0 : i32
        %dma_start3A_204 = tpu.memref_slice %arg3[%mul3A_203, %dma_start3A] : memref<500032x128xf32, #tpu.memory_space<hbm>> -> memref<64x128xf32, #tpu.memory_space<hbm>>
        %dma_start3A_205 = arith.constant 0 : i32
        %dma_start3A_206 = tpu.memref_slice %arg3[%mul3A_203, %dma_start3A_205] : memref<500032x128xf32, #tpu.memory_space<hbm>> -> memref<64x128xf32, #tpu.memory_space<hbm>>
        tpu.enqueue_dma source(%arg7 : memref<64x128xf32, #tpu.memory_space<vmem>>) target(%dma_start3A_206 : memref<64x128xf32, #tpu.memory_space<hbm>>) target_semaphore(%arg11 : memref<!tpu.dma_semaphore, #tpu.memory_space<semaphore_mem>>)
      } else {
      }
    }
    %ge3A = arith.constant 1 : i32
    %ge3A_152 = arith.cmpi sge, %select_n3A, %ge3A : i32
    %convert_element_type3A_153 = arith.extui %ge3A_152 : i1 to i32
    %cond3A_154 = arith.constant 0 : i32
    %cond3A_155 = arith.cmpi ne, %convert_element_type3A_153, %cond3A_154 : i32
    scf.if %cond3A_155 {
      %add3A_161 = arith.constant 0 : i32
      %add3A_162 = arith.addi %add3A, %add3A_161 : i32
      %mul3A_163 = arith.constant 64 : i32
      %mul3A_164 = arith.muli %add3A_162, %mul3A_163 : i32
      %dma_wait3A = arith.constant 0 : i32
      %dma_wait3A_165 = tpu.memref_slice %arg3[%mul3A_164, %dma_wait3A] : memref<500032x128xf32, #tpu.memory_space<hbm>> -> memref<64x128xf32, #tpu.memory_space<hbm>>
      %dma_wait3A_166 = arith.constant 0 : i32
      %dma_wait3A_167 = tpu.memref_slice %arg3[%mul3A_164, %dma_wait3A_166] : memref<500032x128xf32, #tpu.memory_space<hbm>> -> memref<64x128xf32, #tpu.memory_space<hbm>>
      tpu.wait_dma2 semaphore(%arg10 : memref<!tpu.dma_semaphore, #tpu.memory_space<semaphore_mem>>) src(%arg6 : memref<64x128xf32, #tpu.memory_space<vmem>>) dst(%dma_wait3A_167 : memref<64x128xf32, #tpu.memory_space<hbm>>)
    } else {
    }
    %ge3A_156 = arith.constant 2 : i32
    %ge3A_157 = arith.cmpi sge, %select_n3A, %ge3A_156 : i32
    %convert_element_type3A_158 = arith.extui %ge3A_157 : i1 to i32
    %cond3A_159 = arith.constant 0 : i32
    %cond3A_160 = arith.cmpi ne, %convert_element_type3A_158, %cond3A_159 : i32
    scf.if %cond3A_160 {
      %add3A_161 = arith.constant 0 : i32
      %add3A_162 = arith.addi %add3A, %add3A_161 : i32
      %mul3A_163 = arith.constant 64 : i32
      %mul3A_164 = arith.muli %add3A_162, %mul3A_163 : i32
      %dma_wait3A = arith.constant 0 : i32
      %dma_wait3A_165 = tpu.memref_slice %arg3[%mul3A_164, %dma_wait3A] : memref<500032x128xf32, #tpu.memory_space<hbm>> -> memref<64x128xf32, #tpu.memory_space<hbm>>
      %dma_wait3A_166 = arith.constant 0 : i32
      %dma_wait3A_167 = tpu.memref_slice %arg3[%mul3A_164, %dma_wait3A_166] : memref<500032x128xf32, #tpu.memory_space<hbm>> -> memref<64x128xf32, #tpu.memory_space<hbm>>
      tpu.wait_dma2 semaphore(%arg11 : memref<!tpu.dma_semaphore, #tpu.memory_space<semaphore_mem>>) src(%arg7 : memref<64x128xf32, #tpu.memory_space<vmem>>) dst(%dma_wait3A_167 : memref<64x128xf32, #tpu.memory_space<hbm>>)
    } else {
    }
    return
  }
}

</mosaic_0001>

<sc_bundles>
// kernel: _sc_repack.3.cloned.1.call-start
scs
__scs_entry_jumppad:
0x0: {  	(pc) =	sbr.rel $0x88, $3  }
0x1: {  	(tag) =	ssettag $0x0;
	lr =	simm.s32 $0x1  }
0x2: {  	[smem:$0x3FA0] =	sst lr;
	_ =	strace $0xD0000000  }
0x3: {  	_ = 	snop  }
0x4: {  	_ = 	snop  }
0x5: {  	_ = 	snop  }
0x6: {  	_ = 	snop  }
0x7: {  	_ = 	snop  }
__scs_overlays_trampoline_lowered:
0x8: {  	[smem:$0x3FAF] =	sst s0  }
0x9: {  	[smem:$0x3FB0] =	sst s1  }
0xa: {  	[smem:$0x3FB1] =	sst s2  }
0xb: {  	[smem:$0x3FB2] =	sst s3  }
0xc: {  	[smem:$0x3FB3] =	sst s4  }
0xd: {  	[smem:$0x3FB4] =	sst s5  }
0xe: {  	[smem:$0x3FB5] =	sst s6  }
0xf: {  	[smem:$0x3FB6] =	sst s7  }
0x10: {  	[smem:$0x3FB7] =	sst s8  }
0x11: {  	[smem:$0x3FB8] =	sst s9;
	s0 =	simm.s32 @!p0 $0x0  }
0x12: {  	s1 =	sld [smem:$0x3F9E];
	s0 =	simm.s32 @p0 $0x1  }
0x13: {  	[smem:$0x3FB9] =	sst s0;
	s0 =	simm.s32 @!p1 $0x0  }
0x14: {  	s2 =	sld [smem:$0x3F9D];
	s0 =	simm.s32 @p1 $0x1  }
0x15: {  	[smem:$0x3FBA] =	sst s0;
	s0 =	simm.s32 @!p2 $0x0  }
0x16: {  	s3 =	sld [smem:$0x3FDB];
	s0 =	simm.s32 @p2 $0x1  }
0x17: {  	s4 =	simm.s32 $0x1BF5;
	[smem:$0x3FBC] =	sst s0  }
0x18: {  	s0 =	sld [smem:$0x3F9F];
	_ =	swait.ge [sflag:s4], $0x0  }
0x19: {  	s7 =	sld [smem:$0x3FA0]  }
0x1a: {  	s8 =	sadd.s32 $0xFFFFE003, lr  }
0x1b: {  	s9 =	sadd.s32 $0xFFFFFEF7, lr;
	s5 =	simm.s32 $0xFFFFFFFF;
	p2 =	slt.u32 s8, $0xFFFFF086  }
0x1c: {  	p1 =	slt.u32 s9, $0xF7A;
	s5 =	simm.s32 @!p2 $0x0  }
0x1d: {  	s5 =	simm.s32 @p1 $0x1;
	p0 =	seq.s32 s7, s2  }
0x1e: {  	s7 =	smul.u32 @!p0 $0xF7A, s2;
	p2 =	seq.s32 @!p0 s5, $0x0  }
0x1f: {  	s9 =	smul.u32 $0xF7A, s1;
	s8 =	simm.s32 @!p0 $0x1BF5;
	p2 =	por !p2, p0  }
0x20: {  	[sflag:s8] =	ssyncset.s32 @!p0 $0xFFFFF086;
	s6 =	sadd.s32 @!p0 s3, s7;
	s7 =	simm.s32 @!p0 $0x108  }
0x21: {  	s3 =	sadd.s32 s3, s9;
	s6 =	sadd.s32 @!p0 $0x88, s6;
	s7 =	simm.s32 @p2 $0x1082  }
0x22: {  	[simem:s7], [sflag:s8] =	dma.local @!p0 [hbm:s6], $0xF7A  }
0x23: {  	s9 =	sor.u32 $0xD0000000, s2;
	s6 =	simm.s32 $0x108;
	_ =	swait.ge @!p0 [sflag:s8], $0x0  }
0x24: {  	s3 =	sadd.s32 $0x88, s3;
	s6 =	simm.s32 @!p1 $0x1082;
	[sflag:s4] =	ssyncset.s32 $0xFFFFF086  }
0x25: {  	[simem:s6], [sflag:s4] =	dma.local [hbm:s3], $0xF7A  }
0x26: {  	[smem:$0x3FA0] =	sst s1;
	(tag) =	ssettag s2;
	_ =	strace s9  }
0x27: {  	s1 =	sld [smem:$0x3FB0]  }
0x28: {  	s2 =	sld [smem:$0x3FB1]  }
0x29: {  	s4 =	sld [smem:$0x3FB3]  }
0x2a: {  	p0 =	seq.s32 s5, $0x0;
	s5 =	sld [smem:$0x3FB4]  }
0x2b: {  	s6 =	sld [smem:$0x3FB5]  }
0x2c: {  	s7 =	sld [smem:$0x3FB6]  }
0x2d: {  	s3 =	simm.s32 $0x108;
	s8 =	sld [smem:$0x3FB7]  }
0x2e: {  	s3 =	simm.s32 @!p0 $0x1082;
	s9 =	sld [smem:$0x3FB8]  }
0x2f: {  	lr =	sadd.s32 s0, s3;
	s0 =	sld [smem:$0x3FAF]  }
0x30: {  	s3 =	sld [smem:$0x3FB2]  }
0x31: {  	[smem:$0x3FBB] =	sst s10  }
0x32: {  	s10 =	sld [smem:$0x3FB9];
	_ =	sdelay $0x3  }
0x33: {  	p0 =	seq.s32 s10, $0x1;
	s10 =	sld [smem:$0x3FBB];
	_ =	sdelay $0x3  }
0x34: {  	[smem:$0x3FBB] =	sst s10  }
0x35: {  	s10 =	sld [smem:$0x3FBA];
	_ =	sdelay $0x3  }
0x36: {  	p1 =	seq.s32 s10, $0x1;
	s10 =	sld [smem:$0x3FBB];
	_ =	sdelay $0x3  }
0x37: {  	[smem:$0x3FBB] =	sst s10  }
0x38: {  	s10 =	sld [smem:$0x3FBC]  }
0x39: {  	_ = 	snop;
	(pc) =	sbr.ind lr, $3  }
0x3a: {  	_ = 	snop  }
0x3b: {  	_ = 	snop  }
0x3c: {  	p2 =	seq.s32 s10, $0x1;
	s10 =	sld [smem:$0x3FBB]  }
0x3d: {  	_ =	shalt  }
0x3e: {  	_ =	shalt  }
0x3f: {  	_ =	shalt  }
0x40: {  	_ =	shalt  }
0x41: {  	_ =	shalt  }
0x42: {  	_ =	shalt  }
0x43: {  	_ =	shalt  }
0x44: {  	_ =	shalt  }
0x45: {  	_ =	shalt  }
0x46: {  	_ =	shalt  }
0x47: {  	_ =	shalt  }
0x48: {  	_ =	shalt  }
0x49: {  	_ =	shalt  }
0x4a: {  	_ =	shalt  }
0x4b: {  	_ =	shalt  }
0x4c: {  	_ =	shalt  }
0x4d: {  	_ =	shalt  }
0x4e: {  	_ =	shalt  }
0x4f: {  	_ =	shalt  }
0x50: {  	_ =	shalt  }
0x51: {  	_ =	shalt  }
0x52: {  	_ =	shalt  }
0x53: {  	_ =	shalt  }
0x54: {  	_ =	shalt  }
0x55: {  	_ =	shalt  }
0x56: {  	_ =	shalt  }
0x57: {  	_ =	shalt  }
0x58: {  	_ =	shalt  }
0x59: {  	_ =	shalt  }
0x5a: {  	_ =	shalt  }
0x5b: {  	_ =	shalt  }
0x5c: {  	_ =	shalt  }
0x5d: {  	_ =	shalt  }
0x5e: {  	_ =	shalt  }
0x5f: {  	_ =	shalt  }
0x60: {  	_ =	shalt  }
0x61: {  	_ =	shalt  }
0x62: {  	_ =	shalt  }
0x63: {  	_ =	shalt  }
0x64: {  	_ =	shalt  }
0x65: {  	_ =	shalt  }
0x66: {  	_ =	shalt  }
0x67: {  	_ =	shalt  }
0x68: {  	_ =	shalt  }
0x69: {  	_ =	shalt  }
0x6a: {  	_ =	shalt  }
0x6b: {  	_ =	shalt  }
0x6c: {  	_ =	shalt  }
0x6d: {  	_ =	shalt  }
0x6e: {  	_ =	shalt  }
0x6f: {  	_ =	shalt  }
0x70: {  	_ =	shalt  }
0x71: {  	_ =	shalt  }
0x72: {  	_ =	shalt  }
0x73: {  	_ =	shalt  }
0x74: {  	_ =	shalt  }
0x75: {  	_ =	shalt  }
0x76: {  	_ =	shalt  }
0x77: {  	_ =	shalt  }
0x78: {  	_ =	shalt  }
0x79: {  	_ =	shalt  }
0x7a: {  	_ =	shalt  }
0x7b: {  	_ =	shalt  }
0x7c: {  	_ =	shalt  }
0x7d: {  	_ =	shalt  }
0x7e: {  	_ =	shalt  }
0x7f: {  	_ =	shalt  }
0x80: {  	_ =	shalt  }
0x81: {  	_ =	shalt  }
0x82: {  	_ =	shalt  }
0x83: {  	_ =	shalt  }
0x84: {  	_ =	shalt  }
0x85: {  	_ =	shalt  }
0x86: {  	_ =	shalt  }
0x87: {  	_ =	shalt  }
.Lfunc_end0:
.L_simem_size_0:
called_computation_lowered:
.L_overlay_start_0:
0x88: {  	s2 =	sld [smem:$0x3FD9]  }
0x89: {  	s3 =	sld [smem:$0x3FFE];
	_ =	sdelay $0x1  }
0x8a: {  	s1 =	srdreg.scid  }
0x8b: {  	s0 =	sand.u32 $0x1, s1  }
0x8c: {  	s18 =	sshll.u32 s0, $0xA;
	s2 =	sadd.s32 s3, s2  }
0x8d: {  	s2 =	sadd.s32 s2, s18  }
0x8e: {  	[smem:$0x3FC7] =	sst s2  }
0x8f: {  	_ = 	snop  }
0x90: {  	s2 =	sld [smem:$0x3FC9]  }
0x91: {  	s19 =	sld [smem:$0x3FD0];
	(tm) =	ssettm $0x1  }
0x92: {  	s4 =	sld [smem:$0x3FFB];
	_ =	sdelay $0x3  }
0x93: {  	_ =	strace s4  }
0x94: {  	s4 =	sld [smem:$0x3FFC];
	_ =	sdelay $0x3  }
0x95: {  	_ =	strace s4  }
0x96: {  	s4 =	sld [smem:$0x3FFD];
	_ =	sdelay $0x3  }
0x97: {  	_ =	strace s4  }
0x98: {  	_ =	strace $0x8FFFFFFF  }
0x99: {  	s20 =	sld [smem:$0x3FDB];
	_ =	sdelay $0x1  }
0x9a: {  	s5 =	simm.s32 $_scs_section_size  }
0x9b: {  	s6 =	simm.s32 $_size__tile_overlayer_lowered;
	s7 =	simm.s32 $_tile_overlayer_lowered  }
0x9c: {  	s23 =	simm.s32 $0x1BFF;
	s22 =	sshll.u32 s7, $0x1;
	s4 =	sadd.s32 s5, s20  }
0x9d: {  	s8 =	simm.s32 $0x0;
	s21 =	sshll.u32 s6, $0x1;
	s6 =	sadd.s32 s22, s4  }
0x9e: {  	[timem:s8], [sflag:s23] =	dma.local [hbm:s6], s21  }
0x9f: {  	_ =	swait.ge [sflag:s23], s21  }
0xa0: {  	s5 =	ssub.s32 $0x0, s21;
	[sflag:s23] =	ssyncset.done $0x0  }
0xa1: {  	[sflag:s23] =	ssyncadd.s32 s5;
	_ =	sdelay $0x1  }
0xa2: {  	s24 =	simm.s32 $0x1B8B  }
0xa3: {  	_ =	swait.ge [sflag:s24], $0x1  }
0xa4: {  	[sflag:s24] =	ssyncset.done $0x0  }
0xa5: {  	s25 =	simm.s32 $0x1B8E;
	[sflag:s24] =	ssyncadd.s32 $0xFFFFFFFF  }
0xa6: {  	s26 =	simm.s32 $execute0_lowered;
	[smem:$0x3FD2] =	sst s25  }
0xa7: {  	s5 =	sshll.u32 s26, $0x1;
	_ =	strace $0x80000046;
	[dreg:$0x1] =	wrdreg $0xFFFFFFFF  }
0xa8: {  	s28 =	simm.s32 $_size_execute0_lowered;
	s4 =	sadd.s32 s4, s5;
	[dreg:$0x0] =	wrdreg $0x0  }
0xa9: {  	s5 =	sshll.u32 s28, $0x1;
	[dreg:$0x2] =	wrdreg s4  }
0xaa: {  	[dreg:$0x3] =	wrdreg s5  }
0xab: {  	[dreg:$0x4] =	wrdreg $0xC0  }
0xac: {  	_ =	task [dreg:s8], $0x5FFFF  }
0xad: {  	[dreg:$0x1] =	wrdreg $0xFFFFFFFF  }
0xae: {  	[dreg:$0x0] =	wrdreg $0x60  }
0xaf: {  	[dreg:$0x2] =	wrdreg s2  }
0xb0: {  	[dreg:$0x3] =	wrdreg s19  }
0xb1: {  	[dreg:$0x4] =	wrdreg $0x9  }
0xb2: {  	_ =	task.clear_ibuf [dreg:s8], $0x5FFFF;
	_ =	strace $0x90000046  }
0xb3: {  	s29 =	simm.s32 $0x9;
	_ =	strace $0x80000048  }
0xb4: {  	_ =	swait.ge [sflag:s29], $0x1  }
0xb5: {  	[sflag:s29] =	ssyncadd.s32 $0xFFFFFFFF  }
0xb6: {  	_ =	strace $0x90000048  }
0xb7: {  	_ =	sfence  }
0xb8: {  	s30 =	sld [smem:$0x0];
	_ =	sdelay $0x2  }
0xb9: {  	s31 =	sshll.u32 s1, $0xD;
	s1 =	sshrl.u32 s1, $0x2  }
0xba: {  	s3 =	sand.u32 $0x4000, s31;
	s1 =	sadd.s32 s1, s30  }
0xbb: {  	s0 =	sor.u32 s3, s0;
	s1 =	sshll.u32 s1, $0x11  }
0xbc: {  	s0 =	sor.u32 s1, s0  }
0xbd: {  	s0 =	sadd.s32 $0x8F2B, s0  }
0xbe: {  	[sflag:s0] =	ssyncadd.remote.s32 $0x1  }
0xbf: {  	_ =	sfence.sel $0xFFFF  }
0xc0: {  	[dreg:$0x0] =	wrdreg $0xFFFFFFFF;
	(pc) =	sbr.abs _section_cstart, $3  }
0xc1: {  	[dreg:$0x1] =	wrdreg $0xFFFFFFFF  }
0xc2: {  	_ =	task.clear_ibuf [dreg:s8], $0x2FFFF;
	_ =	strace $0x9FFFFFFF  }
0xc3: {  	(tm) =	ssettm $0x7FFFFFFF  }
tec
execute0_lowered:
.L_overlay_start_1:
0x0: {  	(tag) =	ssettag $0x1  }
0x1: {  	v0 =	vimm.s32 $0xFDB97531;
	v1 =	vimm.s32 $0xECA86420  }
0x2: {  	v33 =	vlaneseq.u32;
	vm0 =	vcmask $0x1F10;
	v2 =	vimm.s32 $0x76543210  }
0x3: {  	v3 =	vimm.s32 $0x404F4E4D;
	v4 =	vimm.s32 $0x4C4B4A49;
	v7 =	vimm.s32 $0x41404F4E  }
0x4: {  	v8 =	vimm.s32 $0x4241404F;
	v10 =	vimm.s32 $0x4E4D4C4B;
	v13 =	vimm.s32 $0x43424140  }
0x5: {  	v18 =	vimm.s32 $0x44434241;
	v19 =	vimm.s32 $0xCBA98765;
	v20 =	vimm.s32 $0x45444342  }
0x6: {  	v21 =	vimm.s32 $0x46454443;
	v23 =	vimm.s32 $0x49484746;
	v25 =	vimm.s32 $0x43210FED  }
0x7: {  	vm12 =	vcmask $0x300;
	vm13 =	vcmask $0x704;
	vm14 =	vcmask $0xB08  }
0x8: {  	vm11 =	vcmask $0xF0C;
	vm10 =	vcmask $0x1310;
	vm9 =	vcmask $0x1714  }
0x9: {  	vm8 =	vcmask $0x1B18;
	vm5 =	vcmask $0x1F1C;
	vm15 =	vcmask $0x2320  }
0xa: {  	vm1 =	vcmask $0x2724;
	vm2 =	vcmask $0x2B28;
	vm3 =	vcmask $0x2F2C  }
0xb: {  	vm4 =	vcmask $0x3330;
	vm6 =	vcmask $0x3734;
	vm7 =	vcmask $0x3B38  }
0xc: {  	v26 =	vimm.s32 $0x300;
	v27 =	vimm.s32 $0x280;
	v28 =	vimm.s32 $0x200  }
0xd: {  	v29 =	vimm.s32 $0x180;
	v30 =	vimm.s32 $0x100;
	v31 =	vimm.s32 $0x80  }
0xe: {  	v32 =	vimm.s32 $0x0;
	v0 =	vunpack.c.l.s4.s8 v0;
	v1 =	vunpack.c.l.s4.s8 v1  }
0xf: {  	v6 =	vunpack.c.0.s8.s32 v3;
	v15 =	vunpack.c.0.s8.s32 v4;
	v9 =	vand.u32 $0x7, v33  }
0x10: {  	v4 =	vimm.s32 $0x98765432;
	v7 =	vunpack.c.0.s8.s32 v7;
	v8 =	vunpack.c.0.s8.s32 v8  }
0x11: {  	v17 =	vunpack.c.0.s8.s32 v10;
	v10 =	vimm.s32 $0xBA987654;
	v13 =	vunpack.c.0.s8.s32 v13  }
0x12: {  	v18 =	vunpack.c.0.s8.s32 v18;
	v20 =	vunpack.c.0.s8.s32 v20;
	v21 =	vunpack.c.0.s8.s32 v21  }
0x13: {  	v23 =	vunpack.c.0.s8.s32 v23;
	v26 =	vsel vm12, $0x380, v26;
	v27 =	vsel vm12, $0x300, v27  }
0x14: {  	v28 =	vsel vm12, $0x280, v28;
	v29 =	vsel vm12, $0x200, v29;
	v30 =	vsel vm12, $0x180, v30  }
0x15: {  	v31 =	vsel vm12, $0x100, v31;
	v32 =	vsel vm12, $0x80, v32;
	v33 =	vmul.u32 $0x80, v33  }
0x16: {  	v4 =	vunpack.c.l.s4.s8 v4;
	v10 =	vunpack.c.l.s4.s8 v10;
	v9 =	vmul.u32 $0x80, v9  }
0x17: {  	v26 =	vsel vm13, $0x400, v26;
	v27 =	vsel vm13, $0x380, v27;
	v28 =	vsel vm13, $0x300, v28  }
0x18: {  	v29 =	vsel vm13, $0x280, v29;
	v30 =	vsel vm13, $0x200, v30;
	v31 =	vsel vm13, $0x180, v31  }
0x19: {  	v32 =	vsel vm13, $0x100, v32;
	v0 =	vunpack.c.0.s8.s32 v0;
	v1 =	vunpack.c.0.s8.s32 v1  }
0x1a: {  	v12 =	vsel vm0, v8, v17;
	v8 =	vsel vm0, v21, v8;
	v26 =	vsel vm14, $0x480, v26  }
0x1b: {  	v27 =	vsel vm14, $0x400, v27;
	v28 =	vsel vm14, $0x380, v28;
	v29 =	vsel vm14, $0x300, v29  }
0x1c: {  	v30 =	vsel vm14, $0x280, v30;
	v31 =	vsel vm14, $0x200, v31;
	v32 =	vsel vm14, $0x180, v32  }
0x1d: {  	v10 =	vunpack.c.0.s8.s32 v10;
	v26 =	vsel vm11, $0x500, v26;
	v27 =	vsel vm11, $0x480, v27  }
0x1e: {  	v28 =	vsel vm11, $0x400, v28;
	v29 =	vsel vm11, $0x380, v29;
	v30 =	vsel vm11, $0x300, v30  }
0x1f: {  	v31 =	vsel vm11, $0x280, v31;
	v32 =	vsel vm11, $0x200, v32;
	v0 =	vcombine.low v1, v0  }
0x20: {  	v1 =	vimm.s32 $0x4F4E4D4C;
	v26 =	vsel vm10, $0x580, v26;
	v27 =	vsel vm10, $0x500, v27  }
0x21: {  	v28 =	vsel vm10, $0x480, v28;
	v29 =	vsel vm10, $0x400, v29;
	v30 =	vsel vm10, $0x380, v30  }
0x22: {  	v31 =	vsel vm10, $0x300, v31;
	v32 =	vsel vm10, $0x280, v32;
	v5 =	vunpack.c.0.s8.s32 v1  }
0x23: {  	v1 =	vimm.s32 $0x4B4A4948;
	v10 =	vand.u32 $0xF, v10;
	v26 =	vsel vm9, $0x600, v26  }
0x24: {  	v27 =	vsel vm9, $0x580, v27;
	v28 =	vsel vm9, $0x500, v28;
	v29 =	vsel vm9, $0x480, v29  }
0x25: {  	v30 =	vsel vm9, $0x400, v30;
	v31 =	vsel vm9, $0x380, v31;
	v32 =	vsel vm9, $0x300, v32  }
0x26: {  	v0 =	vand.u32 $0xF, v0;
	v14 =	vunpack.c.0.s8.s32 v1;
	v1 =	vunpack.c.l.s4.s8 v2  }
0x27: {  	v2 =	vimm.s32 $0x87654321;
	v26 =	vsel vm8, $0x680, v26;
	v27 =	vsel vm8, $0x600, v27  }
0x28: {  	v28 =	vsel vm8, $0x580, v28;
	v29 =	vsel vm8, $0x500, v29;
	v30 =	vsel vm8, $0x480, v30  }
0x29: {  	v31 =	vsel vm8, $0x400, v31;
	v32 =	vsel vm8, $0x380, v32;
	v2 =	vunpack.c.l.s4.s8 v2  }
0x2a: {  	v26 =	vsel vm5, $0x700, v26;
	v27 =	vsel vm5, $0x680, v27;
	v28 =	vsel vm5, $0x600, v28  }
0x2b: {  	v29 =	vsel vm5, $0x580, v29;
	v30 =	vsel vm5, $0x500, v30;
	v31 =	vsel vm5, $0x480, v31  }
0x2c: {  	v32 =	vsel vm5, $0x400, v32;
	v1 =	vunpack.c.0.s8.s32 v1;
	v3 =	vsel vm0, v5, v14  }
0x2d: {  	v5 =	vsel vm0, v13, v5;
	v26 =	vsel vm15, $0x780, v26;
	v27 =	vsel vm15, $0x700, v27  }
0x2e: {  	v28 =	vsel vm15, $0x680, v28;
	v29 =	vsel vm15, $0x600, v29;
	v30 =	vsel vm15, $0x580, v30  }
0x2f: {  	v31 =	vsel vm15, $0x500, v31;
	v32 =	vsel vm15, $0x480, v32;
	v2 =	vunpack.c.0.s8.s32 v2  }
0x30: {  	v5 =	vcombine.low v10, v5;
	v26 =	vsel vm1, $0x0, v26;
	v27 =	vsel vm1, $0x780, v27  }
0x31: {  	v28 =	vsel vm1, $0x700, v28;
	v29 =	vsel vm1, $0x680, v29;
	v30 =	vsel vm1, $0x600, v30  }
0x32: {  	v31 =	vsel vm1, $0x580, v31;
	v32 =	vsel vm1, $0x500, v32;
	v1 =	vcombine.low v1, v3  }
0x33: {  	v3 =	vsel vm0, v6, v15;
	v6 =	vsel vm0, v18, v6;
	v26 =	vsel vm2, $0x80, v26  }
0x34: {  	v27 =	vsel vm2, $0x0, v27;
	v28 =	vsel vm2, $0x780, v28;
	v29 =	vsel vm2, $0x700, v29  }
0x35: {  	v30 =	vsel vm2, $0x680, v30;
	v31 =	vsel vm2, $0x600, v31;
	v32 =	vsel vm2, $0x580, v32  }
0x36: {  	v2 =	vand.u32 $0xF, v2;
	v26 =	vsel vm3, $0x100, v26;
	v27 =	vsel vm3, $0x80, v27  }
0x37: {  	v28 =	vsel vm3, $0x0, v28;
	v29 =	vsel vm3, $0x780, v29;
	v30 =	vsel vm3, $0x700, v30  }
0x38: {  	v31 =	vsel vm3, $0x680, v31;
	v32 =	vsel vm3, $0x600, v32;
	v2 =	vcombine.low v2, v3  }
0x39: {  	v3 =	vimm.s32 $0x4D4C4B4A;
	v26 =	vsel vm4, $0x180, v26;
	v27 =	vsel vm4, $0x100, v27  }
0x3a: {  	v28 =	vsel vm4, $0x80, v28;
	v29 =	vsel vm4, $0x0, v29;
	v30 =	vsel vm4, $0x780, v30  }
0x3b: {  	v31 =	vsel vm4, $0x700, v31;
	v32 =	vsel vm4, $0x680, v32;
	v16 =	vunpack.c.0.s8.s32 v3  }
0x3c: {  	v3 =	vunpack.c.0.s8.s32 v4;
	v4 =	vimm.s32 $0xA9876543;
	v26 =	vsel vm6, $0x200, v26  }
0x3d: {  	v27 =	vsel vm6, $0x180, v27;
	v28 =	vsel vm6, $0x100, v28;
	v29 =	vsel vm6, $0x80, v29  }
0x3e: {  	v30 =	vsel vm6, $0x0, v30;
	v31 =	vsel vm6, $0x780, v31;
	v4 =	vunpack.c.l.s4.s8 v4  }
0x3f: {  	v32 =	vsel vm6, $0x700, v32;
	v26 =	vsel vm7, $0x280, v26;
	v27 =	vsel vm7, $0x200, v27  }
0x40: {  	v11 =	vsel vm0, v7, v16;
	v3 =	vand.u32 $0xF, v3;
	v4 =	vunpack.c.0.s8.s32 v4  }
0x41: {  	v3 =	vcombine.low v3, v11;
	v11 =	vunpack.c.l.s4.s8 v19;
	v19 =	vimm.s32 $0xEDCBA987  }
0x42: {  	v28 =	vsel vm7, $0x180, v28;
	v29 =	vsel vm7, $0x100, v29;
	v19 =	vunpack.c.l.s4.s8 v19  }
0x43: {  	v30 =	vsel vm7, $0x80, v30;
	v4 =	vand.u32 $0xF, v4;
	v11 =	vunpack.c.0.s8.s32 v11  }
0x44: {  	v4 =	vcombine.low v4, v12;
	v12 =	vimm.s32 $0xDCBA9876;
	v19 =	vunpack.c.0.s8.s32 v19  }
0x45: {  	v31 =	vsel vm7, $0x0, v31;
	v12 =	vunpack.c.l.s4.s8 v12;
	v11 =	vand.u32 $0xF, v11  }
0x46: {  	v32 =	vsel vm7, $0x780, v32;
	v6 =	vcombine.low v11, v6;
	v11 =	vand.u32 $0xF, v19  }
0x47: {  	v12 =	vunpack.c.0.s8.s32 v12;
	v8 =	vcombine.low v11, v8;
	v11 =	vimm.s32 $0x47464544  }
0x48: {  	v7 =	vsel vm0, v20, v7;
	v16 =	vsel vm0, v16, v23;
	v19 =	vunpack.c.0.s8.s32 v11  }
0x49: {  	v11 =	vimm.s32 $0x48474645;
	v10 =	vand.u32 $0xF, v12;
	v12 =	vimm.s32 $0xFEDCBA9  }
0x4a: {  	v22 =	vunpack.c.0.s8.s32 v11;
	v11 =	vimm.s32 $0x10FEDCBA;
	v7 =	vcombine.low v10, v7  }
0x4b: {  	v10 =	vimm.s32 $0xFEDCBA98;
	v12 =	vunpack.c.l.s4.s8 v12;
	v13 =	vsel vm0, v19, v13  }
0x4c: {  	v11 =	vunpack.c.l.s4.s8 v11;
	v10 =	vunpack.c.l.s4.s8 v10;
	v18 =	vsel vm0, v22, v18  }
0x4d: {  	v15 =	vsel vm0, v15, v22;
	v22 =	vimm.s32 $0x500;
	v12 =	vunpack.c.0.s8.s32 v12  }
0x4e: {  	v14 =	vsel vm0, v14, v19;
	v22 =	vsel vm12, $0x580, v22;
	v10 =	vunpack.c.0.s8.s32 v10  }
0x4f: {  	v24 =	vunpack.c.0.s8.s32 v11;
	v22 =	vsel vm13, $0x600, v22;
	v12 =	vand.u32 $0xF, v12  }
0x50: {  	v22 =	vsel vm14, $0x680, v22;
	v10 =	vand.u32 $0xF, v10;
	v11 =	vcombine.low v12, v18  }
0x51: {  	v12 =	vsel vm0, v23, v20;
	v18 =	vimm.s32 $0x210FEDCB;
	v20 =	vimm.s32 $0x4A494847  }
0x52: {  	v23 =	vimm.s32 $0x480;
	v22 =	vsel vm11, $0x700, v22;
	v10 =	vcombine.low v10, v13  }
0x53: {  	v13 =	vand.u32 $0xF, v24;
	v18 =	vunpack.c.l.s4.s8 v18;
	v24 =	vimm.s32 $0x3210FEDC  }
0x54: {  	v20 =	vunpack.c.0.s8.s32 v20;
	v23 =	vsel vm12, $0x500, v23;
	v22 =	vsel vm10, $0x780, v22  }
0x55: {  	v24 =	vunpack.c.l.s4.s8 v24;
	v12 =	vcombine.low v13, v12;
	v23 =	vsel vm13, $0x580, v23  }
0x56: {  	v22 =	vsel vm9, $0x0, v22;
	v13 =	vunpack.c.0.s8.s32 v18;
	v18 =	vunpack.c.l.s4.s8 v25  }
0x57: {  	v21 =	vsel vm0, v20, v21;
	v25 =	vimm.s32 $0x543210FE;
	v17 =	vsel vm0, v17, v20  }
0x58: {  	v20 =	vimm.s32 $0x600;
	v23 =	vsel vm14, $0x600, v23;
	v22 =	vsel vm8, $0x80, v22  }
0x59: {  	v24 =	vunpack.c.0.s8.s32 v24;
	v25 =	vunpack.c.l.s4.s8 v25;
	v20 =	vsel vm12, $0x680, v20  }
0x5a: {  	v23 =	vsel vm11, $0x680, v23;
	v22 =	vsel vm5, $0x100, v22;
	v13 =	vand.u32 $0xF, v13  }
0x5b: {  	v18 =	vunpack.c.0.s8.s32 v18;
	v20 =	vsel vm13, $0x700, v20;
	v23 =	vsel vm10, $0x700, v23  }
0x5c: {  	v22 =	vsel vm15, $0x180, v22;
	v13 =	vcombine.low v13, v21;
	v19 =	vand.u32 $0xF, v24  }
0x5d: {  	v21 =	vunpack.c.0.s8.s32 v25;
	v20 =	vsel vm14, $0x780, v20;
	v23 =	vsel vm9, $0x780, v23  }
0x5e: {  	v22 =	vsel vm1, $0x200, v22;
	v24 =	vimm.s32 $0x400;
	v25 =	vimm.s32 $0x380  }
0x5f: {  	v18 =	vand.u32 $0xF, v18;
	v14 =	vcombine.low v19, v14;
	v19 =	vimm.s32 $0x700  }
0x60: {  	v20 =	vsel vm11, $0x0, v20;
	v23 =	vsel vm8, $0x0, v23;
	v22 =	vsel vm2, $0x280, v22  }
0x61: {  	v24 =	vsel vm12, $0x480, v24;
	v25 =	vsel vm12, $0x400, v25;
	v15 =	vcombine.low v18, v15  }
0x62: {  	v18 =	vand.u32 $0xF, v21;
	v21 =	vimm.s32 $0x6543210F;
	v19 =	vsel vm12, $0x780, v19  }
0x63: {  	v20 =	vsel vm10, $0x80, v20;
	v23 =	vsel vm5, $0x80, v23;
	v22 =	vsel vm3, $0x300, v22  }
0x64: {  	v24 =	vsel vm13, $0x500, v24;
	v25 =	vsel vm13, $0x480, v25;
	v21 =	vunpack.c.l.s4.s8 v21  }
0x65: {  	v19 =	vsel vm13, $0x0, v19;
	v16 =	vcombine.low v18, v16;
	v20 =	vsel vm9, $0x100, v20  }
0x66: {  	v23 =	vsel vm15, $0x100, v23;
	v22 =	vsel vm4, $0x380, v22;
	v24 =	vsel vm14, $0x580, v24  }
0x67: {  	v25 =	vsel vm14, $0x500, v25;
	v18 =	vsel vm14, $0x80, v19;
	v20 =	vsel vm8, $0x180, v20  }
0x68: {  	v23 =	vsel vm1, $0x180, v23;
	v22 =	vsel vm6, $0x400, v22;
	v24 =	vsel vm11, $0x600, v24  }
0x69: {  	v25 =	vsel vm11, $0x580, v25;
	v19 =	vunpack.c.0.s8.s32 v21;
	v18 =	vsel vm11, $0x100, v18  }
0x6a: {  	v20 =	vsel vm5, $0x200, v20;
	v21 =	vimm.s32 $0x580;
	v23 =	vsel vm2, $0x200, v23  }
0x6b: {  	v22 =	vsel vm7, $0x480, v22;
	v24 =	vsel vm10, $0x680, v24;
	v25 =	vsel vm10, $0x600, v25  }
0x6c: {  	v18 =	vsel vm10, $0x180, v18;
	v20 =	vsel vm15, $0x280, v20;
	v21 =	vsel vm12, $0x600, v21  }
0x6d: {  	v23 =	vsel vm3, $0x280, v23;
	v24 =	vsel vm9, $0x700, v24;
	v25 =	vsel vm9, $0x680, v25  }
0x6e: {  	v19 =	vand.u32 $0xF, v19;
	v18 =	vsel vm9, $0x200, v18;
	v20 =	vsel vm1, $0x300, v20  }
0x6f: {  	v21 =	vsel vm13, $0x680, v21;
	v23 =	vsel vm4, $0x300, v23;
	v24 =	vsel vm8, $0x780, v24  }
0x70: {  	v25 =	vsel vm8, $0x700, v25;
	v17 =	vcombine.low v19, v17;
	v18 =	vsel vm8, $0x280, v18  }
0x71: {  	v19 =	vimm.s32 $0x680;
	v20 =	vsel vm2, $0x380, v20;
	v21 =	vsel vm14, $0x700, v21  }
0x72: {  	v23 =	vsel vm6, $0x380, v23;
	v24 =	vsel vm5, $0x0, v24;
	v25 =	vsel vm5, $0x780, v25  }
0x73: {  	v18 =	vsel vm5, $0x300, v18;
	v19 =	vsel vm12, $0x700, v19;
	v20 =	vsel vm3, $0x400, v20  }
0x74: {  	v21 =	vsel vm11, $0x780, v21;
	v23 =	vsel vm7, $0x400, v23;
	v24 =	vsel vm15, $0x80, v24  }
0x75: {  	v25 =	vsel vm15, $0x0, v25;
	v18 =	vsel vm15, $0x380, v18;
	v19 =	vsel vm13, $0x780, v19  }
0x76: {  	v20 =	vsel vm4, $0x480, v20;
	v21 =	vsel vm10, $0x0, v21;
	v24 =	vsel vm1, $0x100, v24  }
0x77: {  	v25 =	vsel vm1, $0x80, v25;
	v19 =	vsel vm14, $0x0, v19;
	v18 =	vsel vm1, $0x400, v18  }
0x78: {  	v20 =	vsel vm6, $0x500, v20;
	v21 =	vsel vm9, $0x80, v21;
	v24 =	vsel vm2, $0x180, v24  }
0x79: {  	s0 =	rddreg [dreg:$0x0];
	v25 =	vsel vm2, $0x100, v25;
	v19 =	vsel vm11, $0x80, v19;
	v18 =	vsel vm2, $0x480, v18  }
0x7a: {  	s2 =	rddreg [dreg:$0x1];
	v20 =	vsel vm7, $0x580, v20;
	v21 =	vsel vm8, $0x100, v21;
	v19 =	vsel vm10, $0x100, v19  }
0x7b: {  	s1 =	rddreg [dreg:$0x2];
	s5 =	srdreg.scid;
	s4 =	simm.s32 $0x0;
	v24 =	vsel vm3, $0x200, v24;
	v25 =	vsel vm3, $0x180, v25;
	v19 =	vsel vm9, $0x180, v19  }
0x7c: {  	s3 =	stileid.u32;
	s11 =	simm.s32 $0x7A1400;
	s12 =	simm.s32 $0x2;
	v18 =	vsel vm3, $0x500, v18;
	v21 =	vsel vm5, $0x180, v21;
	v19 =	vsel vm8, $0x200, v19  }
0x7d: {  	s13 =	simm.s32 $0x2000;
	s14 =	simm.s32 $0x6000;
	s15 =	simm.s32 $0x3;
	v24 =	vsel vm4, $0x280, v24;
	v25 =	vsel vm4, $0x200, v25;
	v19 =	vsel vm5, $0x280, v19  }
0x7e: {  	s16 =	simm.s32 $0x4;
	s17 =	simm.s32 $0x1;
	s18 =	simm.s32 $0x4000;
	v18 =	vsel vm4, $0x580, v18;
	v21 =	vsel vm15, $0x200, v21;
	v19 =	vsel vm15, $0x300, v19  }
0x7f: {  	s19 =	simm.s32 $0x0;
	s5 =	sand.u32 $0x1, s5;
	[smem:$0x7FF] =	sst s4;
	v24 =	vsel vm6, $0x300, v24;
	v21 =	vsel vm1, $0x280, v21;
	v19 =	vsel vm1, $0x380, v19  }
.Ltmp0:
0x80: {  	s7 =	sshll.u32 s3, $0x1;
	s6 =	ssub.s32 $0x2, s5;
	v25 =	vsel vm6, $0x280, v25;
	v21 =	vsel vm2, $0x300, v21;
	v19 =	vsel vm2, $0x400, v19;
	(pc) =	sbr.rel .LBB2_1-.Ltmp0, $4  }
0x81: {  	_ =	strace $0x80000047;
	s9 =	sor.u32 s5, s7;
	s8 =	sshrl.u32 s6, $0x1;
	v18 =	vsel vm6, $0x600, v18;
	v21 =	vsel vm3, $0x380, v21;
	v19 =	vsel vm3, $0x480, v19  }
0x82: {  	s5 =	ssub.s32 $0x1EA4, s9;
	s31 =	sshll.u32 s9, $0x7;
	s7 =	sshll.u32 s9, $0xA;
	v24 =	vsel vm7, $0x380, v24;
	v21 =	vsel vm4, $0x400, v21;
	v19 =	vsel vm4, $0x500, v19  }
0x83: {  	s10 =	ssub.s32 s6, s8;
	s5 =	sshrl.u32 s5, $0x5;
	s6 =	sadd.s32 s0, s31;
	v25 =	vsel vm7, $0x300, v25;
	v21 =	vsel vm6, $0x480, v21;
	v19 =	vsel vm6, $0x580, v19  }
0x84: {  	s8 =	sshll.u32 s9, $0xD;
	s9 =	smax.u32 s10, $0x1;
	s10 =	simm.s32 $0x400;
	v18 =	vsel vm7, $0x680, v18;
	v21 =	vsel vm7, $0x500, v21;
	v19 =	vsel vm7, $0x600, v19  }
.LBB2_14:
0x85: {  	s19 =	sadd.s32 $0x1, s19  }
0x86: {  	_ =	swait.ge [sflag:s15], $0x2000;
	p0 =	sne.s32 s19, s9  }
.Ltmp1:
0x87: {  	[sflag:s15] =	ssyncset.done $0x0;
	(pc) =	sbr.rel @!p0 .LBB2_15-.Ltmp1, $4  }
0x88: {  	[sflag:s15] =	ssyncadd.s32 $0xFFFFE000  }
0x89: {  	_ =	swait.ge [sflag:s16], $0x2000  }
0x8a: {  	[sflag:s16] =	ssyncset.done $0x0  }
0x8b: {  	[sflag:s16] =	ssyncadd.s32 $0xFFFFE000  }
.LBB2_1:
.Ltmp2:
0x8c: {  	(pc) =	sbr.rel .LBB2_2-.Ltmp2, $3  }
0x8d: {  	_ =	sdelay $0x1  }
0x8e: {  	[tilespmem:s4], [sflag:$0x1] =	stream.strided.gather [hbm4b:s6+s10], $0x2000, s11, s10, $0x38;
	[tilespmem:$0x8000] =	vst v63  }
0x8f: {  	s20 =	simm.s32 $0x0  }
.LBB2_13:
0x90: {  	p0 =	sne.s32 s21, s5  }
.Ltmp3:
0x91: {  	_ = 	snop;
	(pc) =	sbr.rel @!p0 .LBB2_14-.Ltmp3, $2  }
0x92: {  	_ =	sdelay $0x2  }
0x93: {  	s20 =	smov.u32 s21  }
.LBB2_2:
0x94: {  	s22 =	sand.u32 $0x1, s20  }
0x95: {  	p0 =	seq.s32 s22, $0x1  }
.Ltmp4:
0x96: {  	_ = 	snop;
	(pc) =	sbr.rel @p0 .LBB2_8-.Ltmp4, $1  }
0x97: {  	_ =	sdelay $0x3  }
0x98: {  	s21 =	sor.u32 $0x1, s20  }
0x99: {  	p0 =	sge.u32 s21, s5  }
0x9a: {  	s23 =	sshll.u32 @!p0 s21, $0xF  }
0x9b: {  	s23 =	sor.u32 @!p0 s7, s23  }
0x9c: {  	s24 =	simm.s32 @!p0 $0x400;
	s23 =	sshrl.u32 @!p0 s23, $0x3  }
0x9d: {  	s25 =	simm.s32 @!p0 $0x7A1400;
	s26 =	simm.s32 @!p0 $0x2000;
	s23 =	sadd.s32 @!p0 s0, s23  }
0x9e: {  	[tilespmem:s26], [sflag:$0x2] =	stream.strided.gather @!p0 [hbm4b:s23+s24], $0x2000, s25, s24, $0x38;
	[tilespmem:$0x8000] =	vst v63  }
0x9f: {  	_ =	swait.ge [sflag:s17], $0x2000  }
0xa0: {  	p0 =	slt.u32 s20, $0x2;
	[sflag:s17] =	ssyncset.done $0x0  }
0xa1: {  	s23 =	simm.s32 @!p0 $0x3;
	[sflag:s17] =	ssyncadd.s32 $0xFFFFE000  }
0xa2: {  	_ =	swait.ge @!p0 [sflag:s23], $0x2000  }
0xa3: {  	[sflag:s23] =	ssyncset.done @!p0 $0x0  }
0xa4: {  	s24 =	simm.s32 $0x0;
	[sflag:s23] =	ssyncadd.s32 @!p0 $0xFFFFE000;
	s23 =	simm.s32 $0x0  }
.LBB2_4:
0xa5: {  	v34 =	vmov s23  }
0xa6: {  	s25 =	sshll.u32 s24, $0x4;
	v50 =	vshll.u32 v34, $0x7  }
0xa7: {  	v34 =	vor.u32 s25, v0;
	v35 =	vor.u32 v33, v50  }
0xa8: {  	s31 =	sshll.u32 s24, $0x3;
	v36 =	vadd.s32 v34, v35  }
0xa9: {  	v47 =	vmov s31  }
0xaa: {  	v35 =	vshll.u32 v47, $0x7  }
0xab: {  	v51 =	vor.u32 v9, v35  }
0xac: {  	v35 =	vor.u32 v1, v51  }
0xad: {  	v48 =	vor.u32 v32, v50;
	v38 =	vor.u32 s23, v35;
	v37 =	vld.idx.msk [tilespmem:v36+s4+$0x0], $0xffff  }
0xae: {  	v39 =	vadd.s32 v34, v48;
	_ =	sdelay $0x3  }
0xaf: {  	v36 =	vor.u32 v2, v51;
	[tilespmem:v38+s18+$0x0] =	vst.idx.msk $0xffff, v37  }
0xb0: {  	v52 =	vor.u32 v31, v50;
	v49 =	vor.u32 s23, v36;
	v38 =	vld.idx.msk [tilespmem:v39+s4+$0x0], $0xffff  }
0xb1: {  	v40 =	vadd.s32 v34, v52;
	_ =	sdelay $0x3  }
0xb2: {  	v37 =	vor.u32 v3, v51;
	[tilespmem:v49+s18+$0x0] =	vst.idx.msk $0xffff, v38  }
0xb3: {  	v54 =	vor.u32 v30, v50;
	v53 =	vor.u32 s23, v37;
	v39 =	vld.idx.msk [tilespmem:v40+s4+$0x0], $0xffff  }
0xb4: {  	v41 =	vadd.s32 v34, v54;
	_ =	sdelay $0x3  }
0xb5: {  	v38 =	vor.u32 v4, v51;
	[tilespmem:v53+s18+$0x0] =	vst.idx.msk $0xffff, v39  }
0xb6: {  	v56 =	vor.u32 v29, v50;
	v55 =	vor.u32 s23, v38;
	v40 =	vld.idx.msk [tilespmem:v41+s4+$0x0], $0xffff  }
0xb7: {  	v42 =	vadd.s32 v34, v56;
	_ =	sdelay $0x3  }
0xb8: {  	v39 =	vor.u32 v5, v51;
	[tilespmem:v55+s18+$0x0] =	vst.idx.msk $0xffff, v40  }
0xb9: {  	v58 =	vor.u32 v28, v50;
	v57 =	vor.u32 s23, v39;
	v41 =	vld.idx.msk [tilespmem:v42+s4+$0x0], $0xffff  }
0xba: {  	v43 =	vadd.s32 v34, v58;
	_ =	sdelay $0x3  }
0xbb: {  	v40 =	vor.u32 v6, v51;
	[tilespmem:v57+s18+$0x0] =	vst.idx.msk $0xffff, v41  }
0xbc: {  	v60 =	vor.u32 v27, v50;
	v59 =	vor.u32 s23, v40;
	v42 =	vld.idx.msk [tilespmem:v43+s4+$0x0], $0xffff  }
0xbd: {  	v44 =	vadd.s32 v34, v60;
	_ =	sdelay $0x3  }
0xbe: {  	v41 =	vor.u32 v7, v51;
	[tilespmem:v59+s18+$0x0] =	vst.idx.msk $0xffff, v42  }
0xbf: {  	v62 =	vor.u32 v26, v50;
	v61 =	vor.u32 s23, v41;
	v43 =	vld.idx.msk [tilespmem:v44+s4+$0x0], $0xffff  }
0xc0: {  	v45 =	vadd.s32 v34, v62;
	_ =	sdelay $0x3  }
0xc1: {  	v42 =	vor.u32 v8, v51;
	[tilespmem:v61+s18+$0x0] =	vst.idx.msk $0xffff, v43  }
0xc2: {  	v47 =	vor.u32 v25, v50;
	v63 =	vor.u32 s23, v42;
	v44 =	vld.idx.msk [tilespmem:v45+s4+$0x0], $0xffff  }
0xc3: {  	v46 =	vadd.s32 v34, v47;
	_ =	sdelay $0x3  }
0xc4: {  	v43 =	vor.u32 v10, v51;
	[tilespmem:v63+s18+$0x0] =	vst.idx.msk $0xffff, v44  }
0xc5: {  	v49 =	vor.u32 v24, v50;
	v48 =	vor.u32 s23, v43;
	v45 =	vld.idx.msk [tilespmem:v46+s4+$0x0], $0xffff  }
0xc6: {  	v47 =	vadd.s32 v34, v49;
	_ =	sdelay $0x3  }
0xc7: {  	v44 =	vor.u32 v11, v51;
	[tilespmem:v48+s18+$0x0] =	vst.idx.msk $0xffff, v45  }
0xc8: {  	v53 =	vor.u32 v23, v50;
	v52 =	vor.u32 s23, v44;
	v46 =	vld.idx.msk [tilespmem:v47+s4+$0x0], $0xffff  }
0xc9: {  	v48 =	vadd.s32 v34, v53;
	_ =	sdelay $0x3  }
0xca: {  	v45 =	vor.u32 v12, v51;
	[tilespmem:v52+s18+$0x0] =	vst.idx.msk $0xffff, v46  }
0xcb: {  	v55 =	vor.u32 v22, v50;
	v54 =	vor.u32 s23, v45;
	v47 =	vld.idx.msk [tilespmem:v48+s4+$0x0], $0xffff  }
0xcc: {  	v49 =	vadd.s32 v34, v55;
	_ =	sdelay $0x3  }
0xcd: {  	v46 =	vor.u32 v13, v51;
	[tilespmem:v54+s18+$0x0] =	vst.idx.msk $0xffff, v47  }
0xce: {  	v57 =	vor.u32 v21, v50;
	v56 =	vor.u32 s23, v46;
	v48 =	vld.idx.msk [tilespmem:v49+s4+$0x0], $0xffff  }
0xcf: {  	v52 =	vadd.s32 v34, v57;
	_ =	sdelay $0x3  }
0xd0: {  	v47 =	vor.u32 v14, v51;
	[tilespmem:v56+s18+$0x0] =	vst.idx.msk $0xffff, v48  }
0xd1: {  	v59 =	vor.u32 v20, v50;
	v58 =	vor.u32 s23, v47;
	v49 =	vld.idx.msk [tilespmem:v52+s4+$0x0], $0xffff  }
0xd2: {  	v53 =	vadd.s32 v34, v59;
	_ =	sdelay $0x3  }
0xd3: {  	v48 =	vor.u32 v15, v51;
	[tilespmem:v58+s18+$0x0] =	vst.idx.msk $0xffff, v49  }
0xd4: {  	v61 =	vor.u32 v19, v50;
	v60 =	vor.u32 s23, v48;
	v52 =	vld.idx.msk [tilespmem:v53+s4+$0x0], $0xffff  }
0xd5: {  	v54 =	vadd.s32 v34, v61;
	_ =	sdelay $0x3  }
0xd6: {  	v49 =	vor.u32 v16, v51;
	[tilespmem:v60+s18+$0x0] =	vst.idx.msk $0xffff, v52  }
0xd7: {  	v63 =	vor.u32 v18, v50;
	v62 =	vor.u32 s23, v49;
	v53 =	vld.idx.msk [tilespmem:v54+s4+$0x0], $0xffff  }
0xd8: {  	v52 =	vadd.s32 v34, v63;
	_ =	sdelay $0x2  }
0xd9: {  	s25 =	simm.s32 $0x10  }
0xda: {  	s28 =	simm.s32 $0x20;
	s26 =	simm.s32 $0x0;
	v50 =	vor.u32 v17, v51;
	v51 =	vmov s25;
	[tilespmem:v62+s18+$0x0] =	vst.idx.msk $0xffff, v53  }
.LBB2_5:
0xdb: {  	p0 =	sne.s32 s28, $0x30;
	v51 =	vshll.u32 v51, $0x7;
	v52 =	vld.idx.msk [tilespmem:v52+s4+$0x0], $0xffff  }
0xdc: {  	v54 =	vor.u32 s26, v50;
	s26 =	smov.u32 s25;
	s25 =	smov.u32 s28;
	v53 =	vor.u32 v33, v51  }
0xdd: {  	v53 =	vadd.s32 v34, v53;
	_ =	sdelay $0x3  }
0xde: {  	[tilespmem:v54+s18+$0x0] =	vst.idx.msk $0xffff, v52  }
0xdf: {  	v52 =	vld.idx.msk [tilespmem:v53+s4+$0x0], $0xffff  }
0xe0: {  	v54 =	vor.u32 v32, v51;
	v53 =	vor.u32 s26, v35  }
0xe1: {  	v54 =	vadd.s32 v34, v54;
	_ =	sdelay $0x3  }
0xe2: {  	[tilespmem:v53+s18+$0x0] =	vst.idx.msk $0xffff, v52  }
0xe3: {  	v52 =	vld.idx.msk [tilespmem:v54+s4+$0x0], $0xffff  }
0xe4: {  	v53 =	vor.u32 s26, v36;
	v54 =	vor.u32 v31, v51  }
0xe5: {  	v54 =	vadd.s32 v34, v54;
	_ =	sdelay $0x3  }
0xe6: {  	[tilespmem:v53+s18+$0x0] =	vst.idx.msk $0xffff, v52  }
0xe7: {  	v52 =	vld.idx.msk [tilespmem:v54+s4+$0x0], $0xffff  }
0xe8: {  	v53 =	vor.u32 s26, v37;
	v54 =	vor.u32 v30, v51  }
0xe9: {  	v54 =	vadd.s32 v34, v54;
	_ =	sdelay $0x3  }
0xea: {  	[tilespmem:v53+s18+$0x0] =	vst.idx.msk $0xffff, v52  }
0xeb: {  	v52 =	vld.idx.msk [tilespmem:v54+s4+$0x0], $0xffff  }
0xec: {  	v53 =	vor.u32 s26, v38;
	v54 =	vor.u32 v29, v51  }
0xed: {  	v54 =	vadd.s32 v34, v54;
	_ =	sdelay $0x3  }
0xee: {  	[tilespmem:v53+s18+$0x0] =	vst.idx.msk $0xffff, v52  }
0xef: {  	v52 =	vld.idx.msk [tilespmem:v54+s4+$0x0], $0xffff  }
0xf0: {  	v53 =	vor.u32 s26, v39;
	v54 =	vor.u32 v28, v51  }
0xf1: {  	v54 =	vadd.s32 v34, v54;
	_ =	sdelay $0x3  }
0xf2: {  	[tilespmem:v53+s18+$0x0] =	vst.idx.msk $0xffff, v52  }
0xf3: {  	v52 =	vld.idx.msk [tilespmem:v54+s4+$0x0], $0xffff  }
0xf4: {  	v53 =	vor.u32 s26, v40;
	v54 =	vor.u32 v27, v51  }
0xf5: {  	v54 =	vadd.s32 v34, v54;
	_ =	sdelay $0x3  }
0xf6: {  	[tilespmem:v53+s18+$0x0] =	vst.idx.msk $0xffff, v52  }
0xf7: {  	v52 =	vld.idx.msk [tilespmem:v54+s4+$0x0], $0xffff  }
0xf8: {  	v53 =	vor.u32 s26, v41;
	v54 =	vor.u32 v26, v51  }
0xf9: {  	v54 =	vadd.s32 v34, v54;
	_ =	sdelay $0x3  }
0xfa: {  	[tilespmem:v53+s18+$0x0] =	vst.idx.msk $0xffff, v52  }
0xfb: {  	v52 =	vld.idx.msk [tilespmem:v54+s4+$0x0], $0xffff  }
0xfc: {  	v53 =	vor.u32 s26, v42;
	v54 =	vor.u32 v25, v51  }
0xfd: {  	v54 =	vadd.s32 v34, v54;
	_ =	sdelay $0x3  }
0xfe: {  	[tilespmem:v53+s18+$0x0] =	vst.idx.msk $0xffff, v52  }
0xff: {  	v52 =	vld.idx.msk [tilespmem:v54+s4+$0x0], $0xffff  }
0x100: {  	v53 =	vor.u32 s26, v43;
	v54 =	vor.u32 v24, v51  }
0x101: {  	v54 =	vadd.s32 v34, v54;
	_ =	sdelay $0x3  }
0x102: {  	[tilespmem:v53+s18+$0x0] =	vst.idx.msk $0xffff, v52  }
0x103: {  	v52 =	vld.idx.msk [tilespmem:v54+s4+$0x0], $0xffff  }
0x104: {  	v53 =	vor.u32 s26, v44;
	v54 =	vor.u32 v23, v51  }
0x105: {  	v54 =	vadd.s32 v34, v54;
	_ =	sdelay $0x3  }
0x106: {  	[tilespmem:v53+s18+$0x0] =	vst.idx.msk $0xffff, v52  }
0x107: {  	v52 =	vld.idx.msk [tilespmem:v54+s4+$0x0], $0xffff  }
0x108: {  	v53 =	vor.u32 s26, v45;
	v54 =	vor.u32 v22, v51  }
0x109: {  	v54 =	vadd.s32 v34, v54;
	_ =	sdelay $0x3  }
0x10a: {  	[tilespmem:v53+s18+$0x0] =	vst.idx.msk $0xffff, v52  }
0x10b: {  	v52 =	vld.idx.msk [tilespmem:v54+s4+$0x0], $0xffff  }
0x10c: {  	v53 =	vor.u32 s26, v46;
	v54 =	vor.u32 v21, v51  }
0x10d: {  	v54 =	vadd.s32 v34, v54;
	_ =	sdelay $0x3  }
0x10e: {  	[tilespmem:v53+s18+$0x0] =	vst.idx.msk $0xffff, v52  }
0x10f: {  	v52 =	vld.idx.msk [tilespmem:v54+s4+$0x0], $0xffff  }
0x110: {  	v53 =	vor.u32 s26, v47;
	v54 =	vor.u32 v20, v51  }
0x111: {  	v54 =	vadd.s32 v34, v54;
	_ =	sdelay $0x3  }
0x112: {  	[tilespmem:v53+s18+$0x0] =	vst.idx.msk $0xffff, v52  }
0x113: {  	v52 =	vld.idx.msk [tilespmem:v54+s4+$0x0], $0xffff  }
0x114: {  	v53 =	vor.u32 s26, v48;
	v54 =	vor.u32 v19, v51  }
0x115: {  	v54 =	vadd.s32 v34, v54;
	_ =	sdelay $0x3  }
0x116: {  	[tilespmem:v53+s18+$0x0] =	vst.idx.msk $0xffff, v52  }
0x117: {  	v53 =	vld.idx.msk [tilespmem:v54+s4+$0x0], $0xffff  }
0x118: {  	v51 =	vor.u32 v18, v51;
	v54 =	vor.u32 s26, v49  }
.Ltmp5:
0x119: {  	v52 =	vadd.s32 v34, v51;
	(pc) =	sbr.rel @p0 .LBB2_5-.Ltmp5, $2  }
0x11a: {  	_ =	sdelay $0x2  }
0x11b: {  	s28 =	sadd.s32 $0x10, s28;
	v51 =	vmov s25;
	[tilespmem:v54+s18+$0x0] =	vst.idx.msk $0xffff, v53  }
0x11c: {  	_ =	sdelay $0x2  }
0x11d: {  	v51 =	vshll.u32 v51, $0x7  }
0x11e: {  	v52 =	vld.idx.msk [tilespmem:v52+s4+$0x0], $0xffff;
	v54 =	vor.u32 s26, v50;
	v53 =	vor.u32 v33, v51  }
0x11f: {  	v53 =	vadd.s32 v34, v53;
	_ =	sdelay $0x3  }
0x120: {  	[tilespmem:v54+s18+$0x0] =	vst.idx.msk $0xffff, v52  }
0x121: {  	v35 =	vor.u32 s25, v35;
	v62 =	vor.u32 v32, v51;
	v52 =	vld.idx.msk [tilespmem:v53+s4+$0x0], $0xffff  }
0x122: {  	v53 =	vadd.s32 v34, v62;
	_ =	sdelay $0x3  }
0x123: {  	[tilespmem:v35+s18+$0x0] =	vst.idx.msk $0xffff, v52  }
0x124: {  	v36 =	vor.u32 s25, v36;
	v63 =	vor.u32 v31, v51;
	v35 =	vld.idx.msk [tilespmem:v53+s4+$0x0], $0xffff  }
0x125: {  	v52 =	vadd.s32 v34, v63;
	_ =	sdelay $0x3  }
0x126: {  	[tilespmem:v36+s18+$0x0] =	vst.idx.msk $0xffff, v35  }
0x127: {  	v54 =	vor.u32 v30, v51;
	v53 =	vor.u32 s25, v37;
	v35 =	vld.idx.msk [tilespmem:v52+s4+$0x0], $0xffff  }
0x128: {  	v37 =	vadd.s32 v34, v54;
	_ =	sdelay $0x3  }
0x129: {  	[tilespmem:v53+s18+$0x0] =	vst.idx.msk $0xffff, v35  }
0x12a: {  	v55 =	vor.u32 s25, v38;
	v56 =	vor.u32 v29, v51;
	v35 =	vld.idx.msk [tilespmem:v37+s4+$0x0], $0xffff  }
0x12b: {  	v37 =	vadd.s32 v34, v56;
	_ =	sdelay $0x3  }
0x12c: {  	[tilespmem:v55+s18+$0x0] =	vst.idx.msk $0xffff, v35  }
0x12d: {  	v57 =	vor.u32 s25, v39;
	v58 =	vor.u32 v28, v51;
	v35 =	vld.idx.msk [tilespmem:v37+s4+$0x0], $0xffff  }
0x12e: {  	v37 =	vadd.s32 v34, v58;
	_ =	sdelay $0x3  }
0x12f: {  	[tilespmem:v57+s18+$0x0] =	vst.idx.msk $0xffff, v35  }
0x130: {  	v59 =	vor.u32 s25, v40;
	v60 =	vor.u32 v27, v51;
	v35 =	vld.idx.msk [tilespmem:v37+s4+$0x0], $0xffff  }
0x131: {  	v37 =	vadd.s32 v34, v60;
	_ =	sdelay $0x3  }
0x132: {  	[tilespmem:v59+s18+$0x0] =	vst.idx.msk $0xffff, v35  }
0x133: {  	v61 =	vor.u32 s25, v41;
	v62 =	vor.u32 v26, v51;
	v35 =	vld.idx.msk [tilespmem:v37+s4+$0x0], $0xffff  }
0x134: {  	v37 =	vadd.s32 v34, v62;
	_ =	sdelay $0x3  }
0x135: {  	[tilespmem:v61+s18+$0x0] =	vst.idx.msk $0xffff, v35  }
0x136: {  	v40 =	vor.u32 v25, v51;
	v63 =	vor.u32 s25, v42;
	v35 =	vld.idx.msk [tilespmem:v37+s4+$0x0], $0xffff  }
0x137: {  	v37 =	vadd.s32 v34, v40;
	_ =	sdelay $0x3  }
0x138: {  	[tilespmem:v63+s18+$0x0] =	vst.idx.msk $0xffff, v35  }
0x139: {  	v41 =	vor.u32 s25, v43;
	v42 =	vor.u32 v24, v51;
	v35 =	vld.idx.msk [tilespmem:v37+s4+$0x0], $0xffff  }
0x13a: {  	v37 =	vadd.s32 v34, v42;
	_ =	sdelay $0x3  }
0x13b: {  	[tilespmem:v41+s18+$0x0] =	vst.idx.msk $0xffff, v35  }
0x13c: {  	v43 =	vor.u32 s25, v44;
	v44 =	vor.u32 v23, v51;
	v35 =	vld.idx.msk [tilespmem:v37+s4+$0x0], $0xffff  }
0x13d: {  	v37 =	vadd.s32 v34, v44;
	_ =	sdelay $0x3  }
0x13e: {  	[tilespmem:v43+s18+$0x0] =	vst.idx.msk $0xffff, v35  }
0x13f: {  	v52 =	vor.u32 s25, v45;
	v53 =	vor.u32 v22, v51;
	v35 =	vld.idx.msk [tilespmem:v37+s4+$0x0], $0xffff  }
0x140: {  	v37 =	vadd.s32 v34, v53;
	_ =	sdelay $0x3  }
0x141: {  	[tilespmem:v52+s18+$0x0] =	vst.idx.msk $0xffff, v35  }
0x142: {  	v54 =	vor.u32 s25, v46;
	v55 =	vor.u32 v21, v51;
	v35 =	vld.idx.msk [tilespmem:v37+s4+$0x0], $0xffff  }
0x143: {  	v37 =	vadd.s32 v34, v55;
	_ =	sdelay $0x3  }
0x144: {  	[tilespmem:v54+s18+$0x0] =	vst.idx.msk $0xffff, v35  }
0x145: {  	v56 =	vor.u32 s25, v47;
	v57 =	vor.u32 v20, v51;
	v35 =	vld.idx.msk [tilespmem:v37+s4+$0x0], $0xffff  }
0x146: {  	v37 =	vadd.s32 v34, v57;
	_ =	sdelay $0x3  }
0x147: {  	[tilespmem:v56+s18+$0x0] =	vst.idx.msk $0xffff, v35  }
0x148: {  	v58 =	vor.u32 s25, v48;
	v59 =	vor.u32 v19, v51;
	v35 =	vld.idx.msk [tilespmem:v37+s4+$0x0], $0xffff  }
0x149: {  	v37 =	vadd.s32 v34, v59;
	_ =	sdelay $0x3  }
0x14a: {  	[tilespmem:v58+s18+$0x0] =	vst.idx.msk $0xffff, v35  }
0x14b: {  	v60 =	vor.u32 s25, v49;
	v61 =	vor.u32 v18, v51;
	v35 =	vld.idx.msk [tilespmem:v37+s4+$0x0], $0xffff  }
0x14c: {  	v62 =	vadd.s32 v34, v61;
	_ =	sdelay $0x3  }
0x14d: {  	s24 =	sadd.s32 $0x1, s24;
	[tilespmem:v60+s18+$0x0] =	vst.idx.msk $0xffff, v35  }
0x14e: {  	p0 =	sne.s32 s24, $0x8;
	v63 =	vor.u32 s25, v50;
	v34 =	vld.idx.msk [tilespmem:v62+s4+$0x0], $0xffff  }
.Ltmp6:
0x14f: {  	_ = 	snop;
	(pc) =	sbr.rel @p0 .LBB2_4-.Ltmp6, $2  }
0x150: {  	_ =	sdelay $0x2  }
0x151: {  	[tilespmem:v63+s18+$0x0] =	vst.idx.msk $0xffff, v34  }
0x152: {  	p0 =	seq.s32 s22, $0x0  }
.Ltmp7:
0x153: {  	s23 =	sshll.u32 s20, $0x12;
	(pc) =	sbr.rel @p0 .LBB2_13-.Ltmp7, $4  }
0x154: {  	s23 =	sor.u32 s8, s23  }
0x155: {  	s23 =	sshrl.u32 s23, $0x3  }
0x156: {  	s23 =	sadd.s32 s2, s23  }
0x157: {  	[hbm4b:s23+s4] =	stream.linear.scatter [tilespmem:s18], [sflag:$0x3], $0x2000, $0x38;
	[tilespmem:$0x8000] =	vst v63  }
.LBB2_8:
0x158: {  	s21 =	sadd.s32 $0x1, s20  }
0x159: {  	p0 =	sge.u32 s21, s5  }
0x15a: {  	s22 =	sshll.u32 @!p0 s21, $0xF  }
0x15b: {  	s22 =	sor.u32 @!p0 s7, s22  }
0x15c: {  	s23 =	simm.s32 @!p0 $0x400;
	s22 =	sshrl.u32 @!p0 s22, $0x3  }
0x15d: {  	s24 =	simm.s32 @!p0 $0x7A1400;
	s25 =	simm.s32 @!p0 $0x0;
	s22 =	sadd.s32 @!p0 s0, s22  }
0x15e: {  	[tilespmem:s25], [sflag:$0x1] =	stream.strided.gather @!p0 [hbm4b:s22+s23], $0x2000, s24, s23, $0x38;
	[tilespmem:$0x8000] =	vst v63  }
0x15f: {  	_ =	swait.ge [sflag:s12], $0x2000  }
0x160: {  	p0 =	slt.u32 s20, $0x2;
	[sflag:s12] =	ssyncset.done $0x0  }
0x161: {  	s22 =	simm.s32 @!p0 $0x4;
	[sflag:s12] =	ssyncadd.s32 $0xFFFFE000  }
0x162: {  	_ =	swait.ge @!p0 [sflag:s22], $0x2000  }
0x163: {  	[sflag:s22] =	ssyncset.done @!p0 $0x0  }
0x164: {  	s23 =	simm.s32 $0x0;
	[sflag:s22] =	ssyncadd.s32 @!p0 $0xFFFFE000;
	s22 =	simm.s32 $0x0  }
.LBB2_9:
0x165: {  	v34 =	vmov s22  }
0x166: {  	s24 =	sshll.u32 s23, $0x4;
	v50 =	vshll.u32 v34, $0x7  }
0x167: {  	v34 =	vor.u32 s24, v0;
	v35 =	vor.u32 v33, v50  }
0x168: {  	s31 =	sshll.u32 s23, $0x3;
	v36 =	vadd.s32 v34, v35  }
0x169: {  	v47 =	vmov s31  }
0x16a: {  	v35 =	vshll.u32 v47, $0x7  }
0x16b: {  	v51 =	vor.u32 v9, v35  }
0x16c: {  	v35 =	vor.u32 v1, v51  }
0x16d: {  	v48 =	vor.u32 v32, v50;
	v38 =	vor.u32 s22, v35;
	v37 =	vld.idx.msk [tilespmem:v36+s13+$0x0], $0xffff  }
0x16e: {  	v39 =	vadd.s32 v34, v48;
	_ =	sdelay $0x3  }
0x16f: {  	v36 =	vor.u32 v2, v51;
	[tilespmem:v38+s14+$0x0] =	vst.idx.msk $0xffff, v37  }
0x170: {  	v52 =	vor.u32 v31, v50;
	v49 =	vor.u32 s22, v36;
	v38 =	vld.idx.msk [tilespmem:v39+s13+$0x0], $0xffff  }
0x171: {  	v40 =	vadd.s32 v34, v52;
	_ =	sdelay $0x3  }
0x172: {  	v37 =	vor.u32 v3, v51;
	[tilespmem:v49+s14+$0x0] =	vst.idx.msk $0xffff, v38  }
0x173: {  	v54 =	vor.u32 v30, v50;
	v53 =	vor.u32 s22, v37;
	v39 =	vld.idx.msk [tilespmem:v40+s13+$0x0], $0xffff  }
0x174: {  	v41 =	vadd.s32 v34, v54;
	_ =	sdelay $0x3  }
0x175: {  	v38 =	vor.u32 v4, v51;
	[tilespmem:v53+s14+$0x0] =	vst.idx.msk $0xffff, v39  }
0x176: {  	v56 =	vor.u32 v29, v50;
	v55 =	vor.u32 s22, v38;
	v40 =	vld.idx.msk [tilespmem:v41+s13+$0x0], $0xffff  }
0x177: {  	v42 =	vadd.s32 v34, v56;
	_ =	sdelay $0x3  }
0x178: {  	v39 =	vor.u32 v5, v51;
	[tilespmem:v55+s14+$0x0] =	vst.idx.msk $0xffff, v40  }
0x179: {  	v58 =	vor.u32 v28, v50;
	v57 =	vor.u32 s22, v39;
	v41 =	vld.idx.msk [tilespmem:v42+s13+$0x0], $0xffff  }
0x17a: {  	v43 =	vadd.s32 v34, v58;
	_ =	sdelay $0x3  }
0x17b: {  	v40 =	vor.u32 v6, v51;
	[tilespmem:v57+s14+$0x0] =	vst.idx.msk $0xffff, v41  }
0x17c: {  	v60 =	vor.u32 v27, v50;
	v59 =	vor.u32 s22, v40;
	v42 =	vld.idx.msk [tilespmem:v43+s13+$0x0], $0xffff  }
0x17d: {  	v44 =	vadd.s32 v34, v60;
	_ =	sdelay $0x3  }
0x17e: {  	v41 =	vor.u32 v7, v51;
	[tilespmem:v59+s14+$0x0] =	vst.idx.msk $0xffff, v42  }
0x17f: {  	v62 =	vor.u32 v26, v50;
	v61 =	vor.u32 s22, v41;
	v43 =	vld.idx.msk [tilespmem:v44+s13+$0x0], $0xffff  }
0x180: {  	v45 =	vadd.s32 v34, v62;
	_ =	sdelay $0x3  }
0x181: {  	v42 =	vor.u32 v8, v51;
	[tilespmem:v61+s14+$0x0] =	vst.idx.msk $0xffff, v43  }
0x182: {  	v47 =	vor.u32 v25, v50;
	v63 =	vor.u32 s22, v42;
	v44 =	vld.idx.msk [tilespmem:v45+s13+$0x0], $0xffff  }
0x183: {  	v46 =	vadd.s32 v34, v47;
	_ =	sdelay $0x3  }
0x184: {  	v43 =	vor.u32 v10, v51;
	[tilespmem:v63+s14+$0x0] =	vst.idx.msk $0xffff, v44  }
0x185: {  	v49 =	vor.u32 v24, v50;
	v48 =	vor.u32 s22, v43;
	v45 =	vld.idx.msk [tilespmem:v46+s13+$0x0], $0xffff  }
0x186: {  	v47 =	vadd.s32 v34, v49;
	_ =	sdelay $0x3  }
0x187: {  	v44 =	vor.u32 v11, v51;
	[tilespmem:v48+s14+$0x0] =	vst.idx.msk $0xffff, v45  }
0x188: {  	v53 =	vor.u32 v23, v50;
	v52 =	vor.u32 s22, v44;
	v46 =	vld.idx.msk [tilespmem:v47+s13+$0x0], $0xffff  }
0x189: {  	v48 =	vadd.s32 v34, v53;
	_ =	sdelay $0x3  }
0x18a: {  	v45 =	vor.u32 v12, v51;
	[tilespmem:v52+s14+$0x0] =	vst.idx.msk $0xffff, v46  }
0x18b: {  	v55 =	vor.u32 v22, v50;
	v54 =	vor.u32 s22, v45;
	v47 =	vld.idx.msk [tilespmem:v48+s13+$0x0], $0xffff  }
0x18c: {  	v49 =	vadd.s32 v34, v55;
	_ =	sdelay $0x3  }
0x18d: {  	v46 =	vor.u32 v13, v51;
	[tilespmem:v54+s14+$0x0] =	vst.idx.msk $0xffff, v47  }
0x18e: {  	v57 =	vor.u32 v21, v50;
	v56 =	vor.u32 s22, v46;
	v48 =	vld.idx.msk [tilespmem:v49+s13+$0x0], $0xffff  }
0x18f: {  	v52 =	vadd.s32 v34, v57;
	_ =	sdelay $0x3  }
0x190: {  	v47 =	vor.u32 v14, v51;
	[tilespmem:v56+s14+$0x0] =	vst.idx.msk $0xffff, v48  }
0x191: {  	v59 =	vor.u32 v20, v50;
	v58 =	vor.u32 s22, v47;
	v49 =	vld.idx.msk [tilespmem:v52+s13+$0x0], $0xffff  }
0x192: {  	v53 =	vadd.s32 v34, v59;
	_ =	sdelay $0x3  }
0x193: {  	v48 =	vor.u32 v15, v51;
	[tilespmem:v58+s14+$0x0] =	vst.idx.msk $0xffff, v49  }
0x194: {  	v61 =	vor.u32 v19, v50;
	v60 =	vor.u32 s22, v48;
	v52 =	vld.idx.msk [tilespmem:v53+s13+$0x0], $0xffff  }
0x195: {  	v54 =	vadd.s32 v34, v61;
	_ =	sdelay $0x3  }
0x196: {  	v49 =	vor.u32 v16, v51;
	[tilespmem:v60+s14+$0x0] =	vst.idx.msk $0xffff, v52  }
0x197: {  	v63 =	vor.u32 v18, v50;
	v62 =	vor.u32 s22, v49;
	v53 =	vld.idx.msk [tilespmem:v54+s13+$0x0], $0xffff  }
0x198: {  	v52 =	vadd.s32 v34, v63;
	_ =	sdelay $0x2  }
0x199: {  	s24 =	simm.s32 $0x10  }
0x19a: {  	s26 =	simm.s32 $0x20;
	s25 =	simm.s32 $0x0;
	v50 =	vor.u32 v17, v51;
	v51 =	vmov s24;
	[tilespmem:v62+s14+$0x0] =	vst.idx.msk $0xffff, v53  }
.LBB2_10:
0x19b: {  	p0 =	sne.s32 s26, $0x30;
	v51 =	vshll.u32 v51, $0x7;
	v52 =	vld.idx.msk [tilespmem:v52+s13+$0x0], $0xffff  }
0x19c: {  	v54 =	vor.u32 s25, v50;
	s25 =	smov.u32 s24;
	s24 =	smov.u32 s26;
	v53 =	vor.u32 v33, v51  }
0x19d: {  	v53 =	vadd.s32 v34, v53;
	_ =	sdelay $0x3  }
0x19e: {  	[tilespmem:v54+s14+$0x0] =	vst.idx.msk $0xffff, v52  }
0x19f: {  	v52 =	vld.idx.msk [tilespmem:v53+s13+$0x0], $0xffff  }
0x1a0: {  	v54 =	vor.u32 v32, v51;
	v53 =	vor.u32 s25, v35  }
0x1a1: {  	v54 =	vadd.s32 v34, v54;
	_ =	sdelay $0x3  }
0x1a2: {  	[tilespmem:v53+s14+$0x0] =	vst.idx.msk $0xffff, v52  }
0x1a3: {  	v52 =	vld.idx.msk [tilespmem:v54+s13+$0x0], $0xffff  }
0x1a4: {  	v53 =	vor.u32 s25, v36;
	v54 =	vor.u32 v31, v51  }
0x1a5: {  	v54 =	vadd.s32 v34, v54;
	_ =	sdelay $0x3  }
0x1a6: {  	[tilespmem:v53+s14+$0x0] =	vst.idx.msk $0xffff, v52  }
0x1a7: {  	v52 =	vld.idx.msk [tilespmem:v54+s13+$0x0], $0xffff  }
0x1a8: {  	v53 =	vor.u32 s25, v37;
	v54 =	vor.u32 v30, v51  }
0x1a9: {  	v54 =	vadd.s32 v34, v54;
	_ =	sdelay $0x3  }
0x1aa: {  	[tilespmem:v53+s14+$0x0] =	vst.idx.msk $0xffff, v52  }
0x1ab: {  	v52 =	vld.idx.msk [tilespmem:v54+s13+$0x0], $0xffff  }
0x1ac: {  	v53 =	vor.u32 s25, v38;
	v54 =	vor.u32 v29, v51  }
0x1ad: {  	v54 =	vadd.s32 v34, v54;
	_ =	sdelay $0x3  }
0x1ae: {  	[tilespmem:v53+s14+$0x0] =	vst.idx.msk $0xffff, v52  }
0x1af: {  	v52 =	vld.idx.msk [tilespmem:v54+s13+$0x0], $0xffff  }
0x1b0: {  	v53 =	vor.u32 s25, v39;
	v54 =	vor.u32 v28, v51  }
0x1b1: {  	v54 =	vadd.s32 v34, v54;
	_ =	sdelay $0x3  }
0x1b2: {  	[tilespmem:v53+s14+$0x0] =	vst.idx.msk $0xffff, v52  }
0x1b3: {  	v52 =	vld.idx.msk [tilespmem:v54+s13+$0x0], $0xffff  }
0x1b4: {  	v53 =	vor.u32 s25, v40;
	v54 =	vor.u32 v27, v51  }
0x1b5: {  	v54 =	vadd.s32 v34, v54;
	_ =	sdelay $0x3  }
0x1b6: {  	[tilespmem:v53+s14+$0x0] =	vst.idx.msk $0xffff, v52  }
0x1b7: {  	v52 =	vld.idx.msk [tilespmem:v54+s13+$0x0], $0xffff  }
0x1b8: {  	v53 =	vor.u32 s25, v41;
	v54 =	vor.u32 v26, v51  }
0x1b9: {  	v54 =	vadd.s32 v34, v54;
	_ =	sdelay $0x3  }
0x1ba: {  	[tilespmem:v53+s14+$0x0] =	vst.idx.msk $0xffff, v52  }
0x1bb: {  	v52 =	vld.idx.msk [tilespmem:v54+s13+$0x0], $0xffff  }
0x1bc: {  	v53 =	vor.u32 s25, v42;
	v54 =	vor.u32 v25, v51  }
0x1bd: {  	v54 =	vadd.s32 v34, v54;
	_ =	sdelay $0x3  }
0x1be: {  	[tilespmem:v53+s14+$0x0] =	vst.idx.msk $0xffff, v52  }
0x1bf: {  	v52 =	vld.idx.msk [tilespmem:v54+s13+$0x0], $0xffff  }
0x1c0: {  	v53 =	vor.u32 s25, v43;
	v54 =	vor.u32 v24, v51  }
0x1c1: {  	v54 =	vadd.s32 v34, v54;
	_ =	sdelay $0x3  }
0x1c2: {  	[tilespmem:v53+s14+$0x0] =	vst.idx.msk $0xffff, v52  }
0x1c3: {  	v52 =	vld.idx.msk [tilespmem:v54+s13+$0x0], $0xffff  }
0x1c4: {  	v53 =	vor.u32 s25, v44;
	v54 =	vor.u32 v23, v51  }
0x1c5: {  	v54 =	vadd.s32 v34, v54;
	_ =	sdelay $0x3  }
0x1c6: {  	[tilespmem:v53+s14+$0x0] =	vst.idx.msk $0xffff, v52  }
0x1c7: {  	v52 =	vld.idx.msk [tilespmem:v54+s13+$0x0], $0xffff  }
0x1c8: {  	v53 =	vor.u32 s25, v45;
	v54 =	vor.u32 v22, v51  }
0x1c9: {  	v54 =	vadd.s32 v34, v54;
	_ =	sdelay $0x3  }
0x1ca: {  	[tilespmem:v53+s14+$0x0] =	vst.idx.msk $0xffff, v52  }
0x1cb: {  	v52 =	vld.idx.msk [tilespmem:v54+s13+$0x0], $0xffff  }
0x1cc: {  	v53 =	vor.u32 s25, v46;
	v54 =	vor.u32 v21, v51  }
0x1cd: {  	v54 =	vadd.s32 v34, v54;
	_ =	sdelay $0x3  }
0x1ce: {  	[tilespmem:v53+s14+$0x0] =	vst.idx.msk $0xffff, v52  }
0x1cf: {  	v52 =	vld.idx.msk [tilespmem:v54+s13+$0x0], $0xffff  }
0x1d0: {  	v53 =	vor.u32 s25, v47;
	v54 =	vor.u32 v20, v51  }
0x1d1: {  	v54 =	vadd.s32 v34, v54;
	_ =	sdelay $0x3  }
0x1d2: {  	[tilespmem:v53+s14+$0x0] =	vst.idx.msk $0xffff, v52  }
0x1d3: {  	v52 =	vld.idx.msk [tilespmem:v54+s13+$0x0], $0xffff  }
0x1d4: {  	v53 =	vor.u32 s25, v48;
	v54 =	vor.u32 v19, v51  }
0x1d5: {  	v54 =	vadd.s32 v34, v54;
	_ =	sdelay $0x3  }
0x1d6: {  	[tilespmem:v53+s14+$0x0] =	vst.idx.msk $0xffff, v52  }
0x1d7: {  	v53 =	vld.idx.msk [tilespmem:v54+s13+$0x0], $0xffff  }
0x1d8: {  	v51 =	vor.u32 v18, v51;
	v54 =	vor.u32 s25, v49  }
.Ltmp8:
0x1d9: {  	v52 =	vadd.s32 v34, v51;
	(pc) =	sbr.rel @p0 .LBB2_10-.Ltmp8, $2  }
0x1da: {  	_ =	sdelay $0x2  }
0x1db: {  	s26 =	sadd.s32 $0x10, s26;
	v51 =	vmov s24;
	[tilespmem:v54+s14+$0x0] =	vst.idx.msk $0xffff, v53  }
0x1dc: {  	_ =	sdelay $0x2  }
0x1dd: {  	v51 =	vshll.u32 v51, $0x7  }
0x1de: {  	v52 =	vld.idx.msk [tilespmem:v52+s13+$0x0], $0xffff;
	v54 =	vor.u32 s25, v50;
	v53 =	vor.u32 v33, v51  }
0x1df: {  	v53 =	vadd.s32 v34, v53;
	_ =	sdelay $0x3  }
0x1e0: {  	[tilespmem:v54+s14+$0x0] =	vst.idx.msk $0xffff, v52  }
0x1e1: {  	v35 =	vor.u32 s24, v35;
	v62 =	vor.u32 v32, v51;
	v52 =	vld.idx.msk [tilespmem:v53+s13+$0x0], $0xffff  }
0x1e2: {  	v53 =	vadd.s32 v34, v62;
	_ =	sdelay $0x3  }
0x1e3: {  	[tilespmem:v35+s14+$0x0] =	vst.idx.msk $0xffff, v52  }
0x1e4: {  	v36 =	vor.u32 s24, v36;
	v63 =	vor.u32 v31, v51;
	v35 =	vld.idx.msk [tilespmem:v53+s13+$0x0], $0xffff  }
0x1e5: {  	v52 =	vadd.s32 v34, v63;
	_ =	sdelay $0x3  }
0x1e6: {  	[tilespmem:v36+s14+$0x0] =	vst.idx.msk $0xffff, v35  }
0x1e7: {  	v54 =	vor.u32 v30, v51;
	v53 =	vor.u32 s24, v37;
	v35 =	vld.idx.msk [tilespmem:v52+s13+$0x0], $0xffff  }
0x1e8: {  	v37 =	vadd.s32 v34, v54;
	_ =	sdelay $0x3  }
0x1e9: {  	[tilespmem:v53+s14+$0x0] =	vst.idx.msk $0xffff, v35  }
0x1ea: {  	v55 =	vor.u32 s24, v38;
	v56 =	vor.u32 v29, v51;
	v35 =	vld.idx.msk [tilespmem:v37+s13+$0x0], $0xffff  }
0x1eb: {  	v37 =	vadd.s32 v34, v56;
	_ =	sdelay $0x3  }
0x1ec: {  	[tilespmem:v55+s14+$0x0] =	vst.idx.msk $0xffff, v35  }
0x1ed: {  	v57 =	vor.u32 s24, v39;
	v58 =	vor.u32 v28, v51;
	v35 =	vld.idx.msk [tilespmem:v37+s13+$0x0], $0xffff  }
0x1ee: {  	v37 =	vadd.s32 v34, v58;
	_ =	sdelay $0x3  }
0x1ef: {  	[tilespmem:v57+s14+$0x0] =	vst.idx.msk $0xffff, v35  }
0x1f0: {  	v59 =	vor.u32 s24, v40;
	v60 =	vor.u32 v27, v51;
	v35 =	vld.idx.msk [tilespmem:v37+s13+$0x0], $0xffff  }
0x1f1: {  	v37 =	vadd.s32 v34, v60;
	_ =	sdelay $0x3  }
0x1f2: {  	[tilespmem:v59+s14+$0x0] =	vst.idx.msk $0xffff, v35  }
0x1f3: {  	v61 =	vor.u32 s24, v41;
	v62 =	vor.u32 v26, v51;
	v35 =	vld.idx.msk [tilespmem:v37+s13+$0x0], $0xffff  }
0x1f4: {  	v37 =	vadd.s32 v34, v62;
	_ =	sdelay $0x3  }
0x1f5: {  	[tilespmem:v61+s14+$0x0] =	vst.idx.msk $0xffff, v35  }
0x1f6: {  	v40 =	vor.u32 v25, v51;
	v63 =	vor.u32 s24, v42;
	v35 =	vld.idx.msk [tilespmem:v37+s13+$0x0], $0xffff  }
0x1f7: {  	v37 =	vadd.s32 v34, v40;
	_ =	sdelay $0x3  }
0x1f8: {  	[tilespmem:v63+s14+$0x0] =	vst.idx.msk $0xffff, v35  }
0x1f9: {  	v41 =	vor.u32 s24, v43;
	v42 =	vor.u32 v24, v51;
	v35 =	vld.idx.msk [tilespmem:v37+s13+$0x0], $0xffff  }
0x1fa: {  	v37 =	vadd.s32 v34, v42;
	_ =	sdelay $0x3  }
0x1fb: {  	[tilespmem:v41+s14+$0x0] =	vst.idx.msk $0xffff, v35  }
0x1fc: {  	v43 =	vor.u32 s24, v44;
	v44 =	vor.u32 v23, v51;
	v35 =	vld.idx.msk [tilespmem:v37+s13+$0x0], $0xffff  }
0x1fd: {  	v37 =	vadd.s32 v34, v44;
	_ =	sdelay $0x3  }
0x1fe: {  	[tilespmem:v43+s14+$0x0] =	vst.idx.msk $0xffff, v35  }
0x1ff: {  	v52 =	vor.u32 s24, v45;
	v53 =	vor.u32 v22, v51;
	v35 =	vld.idx.msk [tilespmem:v37+s13+$0x0], $0xffff  }
0x200: {  	v37 =	vadd.s32 v34, v53;
	_ =	sdelay $0x3  }
0x201: {  	[tilespmem:v52+s14+$0x0] =	vst.idx.msk $0xffff, v35  }
0x202: {  	v54 =	vor.u32 s24, v46;
	v55 =	vor.u32 v21, v51;
	v35 =	vld.idx.msk [tilespmem:v37+s13+$0x0], $0xffff  }
0x203: {  	v37 =	vadd.s32 v34, v55;
	_ =	sdelay $0x3  }
0x204: {  	[tilespmem:v54+s14+$0x0] =	vst.idx.msk $0xffff, v35  }
0x205: {  	v56 =	vor.u32 s24, v47;
	v57 =	vor.u32 v20, v51;
	v35 =	vld.idx.msk [tilespmem:v37+s13+$0x0], $0xffff  }
0x206: {  	v37 =	vadd.s32 v34, v57;
	_ =	sdelay $0x3  }
0x207: {  	[tilespmem:v56+s14+$0x0] =	vst.idx.msk $0xffff, v35  }
0x208: {  	v58 =	vor.u32 s24, v48;
	v59 =	vor.u32 v19, v51;
	v35 =	vld.idx.msk [tilespmem:v37+s13+$0x0], $0xffff  }
0x209: {  	v37 =	vadd.s32 v34, v59;
	_ =	sdelay $0x3  }
0x20a: {  	[tilespmem:v58+s14+$0x0] =	vst.idx.msk $0xffff, v35  }
0x20b: {  	v60 =	vor.u32 s24, v49;
	v61 =	vor.u32 v18, v51;
	v35 =	vld.idx.msk [tilespmem:v37+s13+$0x0], $0xffff  }
0x20c: {  	v62 =	vadd.s32 v34, v61;
	_ =	sdelay $0x3  }
0x20d: {  	s23 =	sadd.s32 $0x1, s23;
	[tilespmem:v60+s14+$0x0] =	vst.idx.msk $0xffff, v35  }
0x20e: {  	p0 =	sne.s32 s23, $0x8;
	v63 =	vor.u32 s24, v50;
	v34 =	vld.idx.msk [tilespmem:v62+s13+$0x0], $0xffff  }
.Ltmp9:
0x20f: {  	_ = 	snop;
	(pc) =	sbr.rel @p0 .LBB2_9-.Ltmp9, $2  }
0x210: {  	_ =	sdelay $0x2  }
0x211: {  	[tilespmem:v63+s14+$0x0] =	vst.idx.msk $0xffff, v34  }
.Ltmp10:
0x212: {  	s20 =	sshll.u32 s20, $0x12;
	(pc) =	sbr.rel .LBB2_13-.Ltmp10, $4  }
0x213: {  	s20 =	sor.u32 s8, s20  }
0x214: {  	s20 =	sshrl.u32 s20, $0x3  }
0x215: {  	s20 =	sadd.s32 s2, s20  }
0x216: {  	[hbm4b:s20+s4] =	stream.linear.scatter [tilespmem:s14], [sflag:$0x4], $0x2000, $0x38;
	[tilespmem:$0x8000] =	vst v63  }
.LBB2_15:
0x217: {  	_ =	sfence.sel $0x180000  }
0x218: {  	[bflag:$0x0] =	sbarrier.arrive $0xFFFF  }
0x219: {  	p0 =	sne.s32 s3, $0x0;
	_ =	strace $0x90000047  }
0x21a: {  	s0 =	sadd.s32 @!p0 $0x100000, s1;
	[bflag:$0x2] =	sbarrier.arrive $0xFFFF  }
0x21b: {  	[sflag:s0] =	ssyncadd.tile.s32 @!p0 $0x1;
	_ =	shalt  }
.Lfunc_end2:
_tile_overlayer_lowered:
.L_overlay_start_2:
0x21c: {  	(tag) =	ssettag $0x2  }
0x21d: {  	s0 =	rddreg [dreg:$0x0];
	s2 =	stileid.u32  }
0x21e: {  	s1 =	rddreg [dreg:$0x1];
	p0 =	sne.s32 s2, $0x0  }
0x21f: {  	s3 =	rddreg [dreg:$0x2];
	[bflag:$0x3] =	sbarrier.arrive $0xFFFF;
	s2 =	simm.s32 @!p0 $0x1C05  }
0x220: {  	[timem:s3], [sflag:s2] =	dma.local @!p0 [hbm:s0], s1  }
0x221: {  	s0 =	simm.s32 @!p0 $0x5  }
0x222: {  	_ =	swait.ge @!p0 [sflag:s0], s1  }
0x223: {  	s1 =	ssub.s32 @!p0 $0x0, s1;
	[sflag:s0] =	ssyncset.done @!p0 $0x0  }
0x224: {  	[sflag:s0] =	ssyncadd.s32 @!p0 s1  }
0x225: {  	[bflag:$0x3] =	sbarrier.arrive $0xFFFF  }
0x226: {  	_ =	shalt  }

</sc_bundles>
